<compile_context>
chip_gen: v7x
topology: tpu7x:2x2x1
jax: 0.10.2.dev20260603
libtpu: 0.0.44.dev20260713+nightly
codegen_flags: <defaults>
</compile_context>

<pallas_src>
import functools

import jax
import jax.numpy as jnp
from jax import lax
from jax.experimental import pallas as pl
from jax.experimental.pallas import tpu as pltpu
from jax.experimental.pallas import tpu_sc as plsc

_CHUNK = 8
_NBUF = 4
_LOOKAHEAD = 2


def _make_gather(seq, batch, hidden):
    n_rows = seq * batch
    info = plsc.get_sparse_core_info()
    nc, ns = info.num_cores, info.num_subcores
    nw = nc * ns
    assert n_rows % (nw * _CHUNK) == 0
    per_w = n_rows // nw
    n_chunks = per_w // _CHUNK
    assert n_chunks % _NBUF == 0 and n_chunks // _NBUF >= 2

    mesh = plsc.VectorSubcoreMesh(core_axis_name="c", subcore_axis_name="s")

    @functools.partial(
        pl.kernel,
        out_type=jax.ShapeDtypeStruct((seq, batch, hidden), jnp.float32),
        mesh=mesh,
        scratch_types=(
            [pltpu.VMEM((per_w,), jnp.int32)]
            + [pltpu.VMEM((_CHUNK, hidden), jnp.float32) for _ in range(_NBUF)]
            + [pltpu.SemaphoreType.DMA for _ in range(2 * _NBUF)]
        ),
    )
    def gather_kernel(table, ids, out3d, idx_v, *rest):
        out = out3d.reshape(n_rows, hidden)
        rows = rest[:_NBUF]
        in_sems = rest[_NBUF:2 * _NBUF]
        out_sems = rest[2 * _NBUF:]

        wid = lax.axis_index("s") * nc + lax.axis_index("c")
        base = wid * per_w
        pltpu.sync_copy(ids.at[pl.ds(base, per_w)], idx_v)

        def gather_desc(g, b):
            return pltpu.make_async_copy(
                table.at[idx_v.at[pl.ds(g * _CHUNK, _CHUNK)]],
                rows[b],
                in_sems[b],
            )

        def out_desc(g, b):
            return pltpu.make_async_copy(
                rows[b],
                out.at[pl.ds(base + g * _CHUNK, _CHUNK)],
                out_sems[b],
            )

        def visit(g, b, skip_out_wait=False, skip_gather=False):
            bn = (b + _LOOKAHEAD) % _NBUF
            if not skip_out_wait:
                out_desc(g + _LOOKAHEAD - _NBUF, bn).wait()
            if not skip_gather:
                gather_desc(g + _LOOKAHEAD, bn).start()
            gather_desc(g, b).wait()
            out_desc(g, b).start()

        for g in range(_LOOKAHEAD):
            gather_desc(g, g).start()
        for b in range(_NBUF):
            visit(b, b, skip_out_wait=(b + _LOOKAHEAD < _NBUF))

        def body(o, _):
            g0 = o * _NBUF
            for b in range(_NBUF):
                visit(g0 + b, b)
            return 0

        lax.fori_loop(1, n_chunks // _NBUF - 1, body, 0)

        g0 = n_chunks - _NBUF
        for b in range(_NBUF):
            visit(g0 + b, b, skip_gather=(b >= _NBUF - _LOOKAHEAD))
        for b in range(_NBUF - _LOOKAHEAD, _NBUF):
            out_desc(g0 + b, b).wait()

    return gather_kernel


def kernel(input_ids, table):
    b, s = input_ids.shape
    _, hidden = table.shape
    ids_t = input_ids.T.reshape(-1).astype(jnp.int32)
    return _make_gather(s, b, hidden)(table, ids_t)

# --- scband reference (transcript-rebuilt; emitter-appended) ---
"""Pipeline reference for scband-embedding-11484742549778 (READ-ONLY COPY).

The authoritative reference and input builder live on the scoring server;
editing this copy changes nothing except your own understanding.
"""

import jax, jax.numpy as jnp
import numpy as np

VOCAB = 100000
HIDDEN = 2048
BATCH = 4
SEQ = 8192

def setup_inputs(seed: int = 0) -> dict:
    key = jax.random.key(seed)
    k_idx, k_tab = jax.random.split(key)
    input_ids = jax.random.randint(k_idx, (BATCH, SEQ), 0, VOCAB, dtype=jnp.int64 if jax.config.read('jax_enable_x64') else jnp.int32)
    table = jax.random.normal(k_tab, (VOCAB, HIDDEN), dtype=jnp.float32) * 0.02
    return {"input_ids": input_ids, "table": table}

def reference(input_ids, table):
    # emb lookup: [B, S] -> [B, S, H]
    emb = jnp.take(table, input_ids, axis=0)
    # transpose(0, 1).contiguous() -> [S, B, H]
    out = jnp.transpose(emb, (1, 0, 2))
    return out

if __name__ == "__main__":
    import jax
    _d = setup_inputs()
    print(jax.jit(kernel)(*tuple(_d.values())))

</pallas_src>

<mosaic_0001>
#map = affine_map<(d0, d1) -> (0, 0)>
#map1 = affine_map<(d0, d1) -> (0)>
#map2 = affine_map<(d0, d1) -> (0, 0, 0)>
module attributes {stable_mosaic.version = 14 : i64} {
  func.func @gather_kernel(%arg0: i32, %arg1: i32, %arg2: memref<100000x2048xf32, #tpu.memory_space<hbm>>, %arg3: memref<32768xi32, #tpu.memory_space<hbm>>, %arg4: memref<8192x4x2048xf32, #tpu.memory_space<hbm>>, %arg5: memref<1024xi32, #tpu.memory_space<vmem>>, %arg6: memref<8x2048xf32, #tpu.memory_space<vmem>>, %arg7: memref<8x2048xf32, #tpu.memory_space<vmem>>, %arg8: memref<8x2048xf32, #tpu.memory_space<vmem>>, %arg9: memref<8x2048xf32, #tpu.memory_space<vmem>>, %arg10: memref<!tpu.dma_semaphore, #tpu.memory_space<semaphore_mem>>, %arg11: memref<!tpu.dma_semaphore, #tpu.memory_space<semaphore_mem>>, %arg12: memref<!tpu.dma_semaphore, #tpu.memory_space<semaphore_mem>>, %arg13: memref<!tpu.dma_semaphore, #tpu.memory_space<semaphore_mem>>, %arg14: memref<!tpu.dma_semaphore, #tpu.memory_space<semaphore_mem>>, %arg15: memref<!tpu.dma_semaphore, #tpu.memory_space<semaphore_mem>>, %arg16: memref<!tpu.dma_semaphore, #tpu.memory_space<semaphore_mem>>, %arg17: memref<!tpu.dma_semaphore, #tpu.memory_space<semaphore_mem>>) attributes {dimension_semantics = [#tpu.dimension_semantics<core_parallel>, #tpu.dimension_semantics<subcore_parallel>], iteration_bounds = array<i64: 2, 16>, scalar_prefetch = 0 : i64, scratch_operands = 13 : i64, tpu.core_type = #tpu.core_type<sc_vector_subcore>, window_params = [{transform_indices = #map}, {transform_indices = #map1}, {transform_indices = #map2}]} {
    %mul3A = arith.constant 2 : i32
    %mul3A_0 = arith.muli %arg1, %mul3A : i32
    %add3A = arith.addi %mul3A_0, %arg0 : i32
    %mul3A_1 = arith.constant 1024 : i32
    %mul3A_2 = arith.muli %add3A, %mul3A_1 : i32
    "tpu.region"() ({
      %run_scoped3A = tpu.sem_alloc : memref<!tpu.dma_semaphore, #tpu.memory_space<semaphore_mem>>
      %dma_start3A_215 = tpu.memref_slice %arg3[%mul3A_2] : memref<32768xi32, #tpu.memory_space<hbm>> -> memref<1024xi32, #tpu.memory_space<hbm>>
      %dma_start3A_216 = tpu.memref_slice %arg3[%mul3A_2] : memref<32768xi32, #tpu.memory_space<hbm>> -> memref<1024xi32, #tpu.memory_space<hbm>>
      tpu.enqueue_dma source(%dma_start3A_216 : memref<1024xi32, #tpu.memory_space<hbm>>) target(%arg5 : memref<1024xi32, #tpu.memory_space<vmem>>) target_semaphore(%run_scoped3A : memref<!tpu.dma_semaphore, #tpu.memory_space<semaphore_mem>>)
      %dma_wait3A_217 = tpu.memref_slice %arg3[%mul3A_2] : memref<32768xi32, #tpu.memory_space<hbm>> -> memref<1024xi32, #tpu.memory_space<hbm>>
      %dma_wait3A_218 = tpu.memref_slice %arg3[%mul3A_2] : memref<32768xi32, #tpu.memory_space<hbm>> -> memref<1024xi32, #tpu.memory_space<hbm>>
      tpu.wait_dma2 semaphore(%run_scoped3A : memref<!tpu.dma_semaphore, #tpu.memory_space<semaphore_mem>>) src(%dma_wait3A_218 : memref<1024xi32, #tpu.memory_space<hbm>>) dst(%arg5 : memref<1024xi32, #tpu.memory_space<vmem>>)
      tpu.yield
    }) : () -> ()
    %dma_start3A = arith.constant 0 : i32
    %dma_start3A_3 = tpu.memref_slice %arg5[%dma_start3A] : memref<1024xi32, #tpu.memory_space<vmem>> -> memref<8xi32, #tpu.memory_space<vmem>>
    %dma_start3A_4 = arith.constant 0 : i32
    %dma_start3A_5 = arith.constant 0 : i32
    %dma_start3A_6 = tpu.memref_slice %arg2[%dma_start3A_4, %dma_start3A_5] : memref<100000x2048xf32, #tpu.memory_space<hbm>> -> memref<100000x2048xf32, #tpu.memory_space<hbm>>
    tpu.enqueue_indirect_dma source(%dma_start3A_6 : memref<100000x2048xf32, #tpu.memory_space<hbm>>) target(%arg6 : memref<8x2048xf32, #tpu.memory_space<vmem>>) offsets(%dma_start3A_3 : memref<8xi32, #tpu.memory_space<vmem>>) semaphore(%arg10 : memref<!tpu.dma_semaphore, #tpu.memory_space<semaphore_mem>>)
    %dma_start3A_7 = arith.constant 8 : i32
    %dma_start3A_8 = tpu.memref_slice %arg5[%dma_start3A_7] : memref<1024xi32, #tpu.memory_space<vmem>> -> memref<8xi32, #tpu.memory_space<vmem>>
    %dma_start3A_9 = arith.constant 0 : i32
    %dma_start3A_10 = arith.constant 0 : i32
    %dma_start3A_11 = tpu.memref_slice %arg2[%dma_start3A_9, %dma_start3A_10] : memref<100000x2048xf32, #tpu.memory_space<hbm>> -> memref<100000x2048xf32, #tpu.memory_space<hbm>>
    tpu.enqueue_indirect_dma source(%dma_start3A_11 : memref<100000x2048xf32, #tpu.memory_space<hbm>>) target(%arg7 : memref<8x2048xf32, #tpu.memory_space<vmem>>) offsets(%dma_start3A_8 : memref<8xi32, #tpu.memory_space<vmem>>) semaphore(%arg11 : memref<!tpu.dma_semaphore, #tpu.memory_space<semaphore_mem>>)
    %dma_start3A_12 = arith.constant 16 : i32
    %dma_start3A_13 = tpu.memref_slice %arg5[%dma_start3A_12] : memref<1024xi32, #tpu.memory_space<vmem>> -> memref<8xi32, #tpu.memory_space<vmem>>
    %dma_start3A_14 = arith.constant 0 : i32
    %dma_start3A_15 = arith.constant 0 : i32
    %dma_start3A_16 = tpu.memref_slice %arg2[%dma_start3A_14, %dma_start3A_15] : memref<100000x2048xf32, #tpu.memory_space<hbm>> -> memref<100000x2048xf32, #tpu.memory_space<hbm>>
    tpu.enqueue_indirect_dma source(%dma_start3A_16 : memref<100000x2048xf32, #tpu.memory_space<hbm>>) target(%arg8 : memref<8x2048xf32, #tpu.memory_space<vmem>>) offsets(%dma_start3A_13 : memref<8xi32, #tpu.memory_space<vmem>>) semaphore(%arg12 : memref<!tpu.dma_semaphore, #tpu.memory_space<semaphore_mem>>)
    %dma_wait3A = arith.constant 0 : i32
    %dma_wait3A_17 = tpu.memref_slice %arg5[%dma_wait3A] : memref<1024xi32, #tpu.memory_space<vmem>> -> memref<8xi32, #tpu.memory_space<vmem>>
    %dma_wait3A_18 = arith.constant 0 : i32
    %dma_wait3A_19 = arith.constant 0 : i32
    %dma_wait3A_20 = tpu.memref_slice %arg2[%dma_wait3A_18, %dma_wait3A_19] : memref<100000x2048xf32, #tpu.memory_space<hbm>> -> memref<100000x2048xf32, #tpu.memory_space<hbm>>
    tpu.wait_indirect_dma semaphore(%arg10 : memref<!tpu.dma_semaphore, #tpu.memory_space<semaphore_mem>>) src(%dma_wait3A_20 : memref<100000x2048xf32, #tpu.memory_space<hbm>>) dst(%arg6 : memref<8x2048xf32, #tpu.memory_space<vmem>>)
    %add3A_21 = arith.constant 0 : i32
    %add3A_22 = arith.addi %mul3A_2, %add3A_21 : i32
    %dma_start3A_23 = tpu.memref_reshape %arg4 : memref<8192x4x2048xf32, #tpu.memory_space<hbm>> -> memref<32768x2048xf32, #tpu.memory_space<hbm>>
    %dma_start3A_24 = arith.constant 0 : i32
    %dma_start3A_25 = tpu.memref_slice %dma_start3A_23[%add3A_22, %dma_start3A_24] : memref<32768x2048xf32, #tpu.memory_space<hbm>> -> memref<8x2048xf32, #tpu.memory_space<hbm>>
    %dma_start3A_26 = tpu.memref_reshape %arg4 : memref<8192x4x2048xf32, #tpu.memory_space<hbm>> -> memref<32768x2048xf32, #tpu.memory_space<hbm>>
    %dma_start3A_27 = arith.constant 0 : i32
    %dma_start3A_28 = tpu.memref_slice %dma_start3A_26[%add3A_22, %dma_start3A_27] : memref<32768x2048xf32, #tpu.memory_space<hbm>> -> memref<8x2048xf32, #tpu.memory_space<hbm>>
    tpu.enqueue_dma source(%arg6 : memref<8x2048xf32, #tpu.memory_space<vmem>>) target(%dma_start3A_28 : memref<8x2048xf32, #tpu.memory_space<hbm>>) target_semaphore(%arg14 : memref<!tpu.dma_semaphore, #tpu.memory_space<semaphore_mem>>)
    %dma_start3A_29 = arith.constant 24 : i32
    %dma_start3A_30 = tpu.memref_slice %arg5[%dma_start3A_29] : memref<1024xi32, #tpu.memory_space<vmem>> -> memref<8xi32, #tpu.memory_space<vmem>>
    %dma_start3A_31 = arith.constant 0 : i32
    %dma_start3A_32 = arith.constant 0 : i32
    %dma_start3A_33 = tpu.memref_slice %arg2[%dma_start3A_31, %dma_start3A_32] : memref<100000x2048xf32, #tpu.memory_space<hbm>> -> memref<100000x2048xf32, #tpu.memory_space<hbm>>
    tpu.enqueue_indirect_dma source(%dma_start3A_33 : memref<100000x2048xf32, #tpu.memory_space<hbm>>) target(%arg9 : memref<8x2048xf32, #tpu.memory_space<vmem>>) offsets(%dma_start3A_30 : memref<8xi32, #tpu.memory_space<vmem>>) semaphore(%arg13 : memref<!tpu.dma_semaphore, #tpu.memory_space<semaphore_mem>>)
    %dma_wait3A_34 = arith.constant 8 : i32
    %dma_wait3A_35 = tpu.memref_slice %arg5[%dma_wait3A_34] : memref<1024xi32, #tpu.memory_space<vmem>> -> memref<8xi32, #tpu.memory_space<vmem>>
    %dma_wait3A_36 = arith.constant 0 : i32
    %dma_wait3A_37 = arith.constant 0 : i32
    %dma_wait3A_38 = tpu.memref_slice %arg2[%dma_wait3A_36, %dma_wait3A_37] : memref<100000x2048xf32, #tpu.memory_space<hbm>> -> memref<100000x2048xf32, #tpu.memory_space<hbm>>
    tpu.wait_indirect_dma semaphore(%arg11 : memref<!tpu.dma_semaphore, #tpu.memory_space<semaphore_mem>>) src(%dma_wait3A_38 : memref<100000x2048xf32, #tpu.memory_space<hbm>>) dst(%arg7 : memref<8x2048xf32, #tpu.memory_space<vmem>>)
    %add3A_39 = arith.constant 8 : i32
    %add3A_40 = arith.addi %mul3A_2, %add3A_39 : i32
    %dma_start3A_41 = tpu.memref_reshape %arg4 : memref<8192x4x2048xf32, #tpu.memory_space<hbm>> -> memref<32768x2048xf32, #tpu.memory_space<hbm>>
    %dma_start3A_42 = arith.constant 0 : i32
    %dma_start3A_43 = tpu.memref_slice %dma_start3A_41[%add3A_40, %dma_start3A_42] : memref<32768x2048xf32, #tpu.memory_space<hbm>> -> memref<8x2048xf32, #tpu.memory_space<hbm>>
    %dma_start3A_44 = tpu.memref_reshape %arg4 : memref<8192x4x2048xf32, #tpu.memory_space<hbm>> -> memref<32768x2048xf32, #tpu.memory_space<hbm>>
    %dma_start3A_45 = arith.constant 0 : i32
    %dma_start3A_46 = tpu.memref_slice %dma_start3A_44[%add3A_40, %dma_start3A_45] : memref<32768x2048xf32, #tpu.memory_space<hbm>> -> memref<8x2048xf32, #tpu.memory_space<hbm>>
    tpu.enqueue_dma source(%arg7 : memref<8x2048xf32, #tpu.memory_space<vmem>>) target(%dma_start3A_46 : memref<8x2048xf32, #tpu.memory_space<hbm>>) target_semaphore(%arg15 : memref<!tpu.dma_semaphore, #tpu.memory_space<semaphore_mem>>)
    %add3A_47 = arith.constant 0 : i32
    %add3A_48 = arith.addi %mul3A_2, %add3A_47 : i32
    %dma_wait3A_49 = tpu.memref_reshape %arg4 : memref<8192x4x2048xf32, #tpu.memory_space<hbm>> -> memref<32768x2048xf32, #tpu.memory_space<hbm>>
    %dma_wait3A_50 = arith.constant 0 : i32
    %dma_wait3A_51 = tpu.memref_slice %dma_wait3A_49[%add3A_48, %dma_wait3A_50] : memref<32768x2048xf32, #tpu.memory_space<hbm>> -> memref<8x2048xf32, #tpu.memory_space<hbm>>
    %dma_wait3A_52 = tpu.memref_reshape %arg4 : memref<8192x4x2048xf32, #tpu.memory_space<hbm>> -> memref<32768x2048xf32, #tpu.memory_space<hbm>>
    %dma_wait3A_53 = arith.constant 0 : i32
    %dma_wait3A_54 = tpu.memref_slice %dma_wait3A_52[%add3A_48, %dma_wait3A_53] : memref<32768x2048xf32, #tpu.memory_space<hbm>> -> memref<8x2048xf32, #tpu.memory_space<hbm>>
    tpu.wait_dma2 semaphore(%arg14 : memref<!tpu.dma_semaphore, #tpu.memory_space<semaphore_mem>>) src(%arg6 : memref<8x2048xf32, #tpu.memory_space<vmem>>) dst(%dma_wait3A_54 : memref<8x2048xf32, #tpu.memory_space<hbm>>)
    %dma_start3A_55 = arith.constant 32 : i32
    %dma_start3A_56 = tpu.memref_slice %arg5[%dma_start3A_55] : memref<1024xi32, #tpu.memory_space<vmem>> -> memref<8xi32, #tpu.memory_space<vmem>>
    %dma_start3A_57 = arith.constant 0 : i32
    %dma_start3A_58 = arith.constant 0 : i32
    %dma_start3A_59 = tpu.memref_slice %arg2[%dma_start3A_57, %dma_start3A_58] : memref<100000x2048xf32, #tpu.memory_space<hbm>> -> memref<100000x2048xf32, #tpu.memory_space<hbm>>
    tpu.enqueue_indirect_dma source(%dma_start3A_59 : memref<100000x2048xf32, #tpu.memory_space<hbm>>) target(%arg6 : memref<8x2048xf32, #tpu.memory_space<vmem>>) offsets(%dma_start3A_56 : memref<8xi32, #tpu.memory_space<vmem>>) semaphore(%arg10 : memref<!tpu.dma_semaphore, #tpu.memory_space<semaphore_mem>>)
    %dma_wait3A_60 = arith.constant 16 : i32
    %dma_wait3A_61 = tpu.memref_slice %arg5[%dma_wait3A_60] : memref<1024xi32, #tpu.memory_space<vmem>> -> memref<8xi32, #tpu.memory_space<vmem>>
    %dma_wait3A_62 = arith.constant 0 : i32
    %dma_wait3A_63 = arith.constant 0 : i32
    %dma_wait3A_64 = tpu.memref_slice %arg2[%dma_wait3A_62, %dma_wait3A_63] : memref<100000x2048xf32, #tpu.memory_space<hbm>> -> memref<100000x2048xf32, #tpu.memory_space<hbm>>
    tpu.wait_indirect_dma semaphore(%arg12 : memref<!tpu.dma_semaphore, #tpu.memory_space<semaphore_mem>>) src(%dma_wait3A_64 : memref<100000x2048xf32, #tpu.memory_space<hbm>>) dst(%arg8 : memref<8x2048xf32, #tpu.memory_space<vmem>>)
    %add3A_65 = arith.constant 16 : i32
    %add3A_66 = arith.addi %mul3A_2, %add3A_65 : i32
    %dma_start3A_67 = tpu.memref_reshape %arg4 : memref<8192x4x2048xf32, #tpu.memory_space<hbm>> -> memref<32768x2048xf32, #tpu.memory_space<hbm>>
    %dma_start3A_68 = arith.constant 0 : i32
    %dma_start3A_69 = tpu.memref_slice %dma_start3A_67[%add3A_66, %dma_start3A_68] : memref<32768x2048xf32, #tpu.memory_space<hbm>> -> memref<8x2048xf32, #tpu.memory_space<hbm>>
    %dma_start3A_70 = tpu.memref_reshape %arg4 : memref<8192x4x2048xf32, #tpu.memory_space<hbm>> -> memref<32768x2048xf32, #tpu.memory_space<hbm>>
    %dma_start3A_71 = arith.constant 0 : i32
    %dma_start3A_72 = tpu.memref_slice %dma_start3A_70[%add3A_66, %dma_start3A_71] : memref<32768x2048xf32, #tpu.memory_space<hbm>> -> memref<8x2048xf32, #tpu.memory_space<hbm>>
    tpu.enqueue_dma source(%arg8 : memref<8x2048xf32, #tpu.memory_space<vmem>>) target(%dma_start3A_72 : memref<8x2048xf32, #tpu.memory_space<hbm>>) target_semaphore(%arg16 : memref<!tpu.dma_semaphore, #tpu.memory_space<semaphore_mem>>)
    %add3A_73 = arith.constant 8 : i32
    %add3A_74 = arith.addi %mul3A_2, %add3A_73 : i32
    %dma_wait3A_75 = tpu.memref_reshape %arg4 : memref<8192x4x2048xf32, #tpu.memory_space<hbm>> -> memref<32768x2048xf32, #tpu.memory_space<hbm>>
    %dma_wait3A_76 = arith.constant 0 : i32
    %dma_wait3A_77 = tpu.memref_slice %dma_wait3A_75[%add3A_74, %dma_wait3A_76] : memref<32768x2048xf32, #tpu.memory_space<hbm>> -> memref<8x2048xf32, #tpu.memory_space<hbm>>
    %dma_wait3A_78 = tpu.memref_reshape %arg4 : memref<8192x4x2048xf32, #tpu.memory_space<hbm>> -> memref<32768x2048xf32, #tpu.memory_space<hbm>>
    %dma_wait3A_79 = arith.constant 0 : i32
    %dma_wait3A_80 = tpu.memref_slice %dma_wait3A_78[%add3A_74, %dma_wait3A_79] : memref<32768x2048xf32, #tpu.memory_space<hbm>> -> memref<8x2048xf32, #tpu.memory_space<hbm>>
    tpu.wait_dma2 semaphore(%arg15 : memref<!tpu.dma_semaphore, #tpu.memory_space<semaphore_mem>>) src(%arg7 : memref<8x2048xf32, #tpu.memory_space<vmem>>) dst(%dma_wait3A_80 : memref<8x2048xf32, #tpu.memory_space<hbm>>)
    %dma_start3A_81 = arith.constant 40 : i32
    %dma_start3A_82 = tpu.memref_slice %arg5[%dma_start3A_81] : memref<1024xi32, #tpu.memory_space<vmem>> -> memref<8xi32, #tpu.memory_space<vmem>>
    %dma_start3A_83 = arith.constant 0 : i32
    %dma_start3A_84 = arith.constant 0 : i32
    %dma_start3A_85 = tpu.memref_slice %arg2[%dma_start3A_83, %dma_start3A_84] : memref<100000x2048xf32, #tpu.memory_space<hbm>> -> memref<100000x2048xf32, #tpu.memory_space<hbm>>
    tpu.enqueue_indirect_dma source(%dma_start3A_85 : memref<100000x2048xf32, #tpu.memory_space<hbm>>) target(%arg7 : memref<8x2048xf32, #tpu.memory_space<vmem>>) offsets(%dma_start3A_82 : memref<8xi32, #tpu.memory_space<vmem>>) semaphore(%arg11 : memref<!tpu.dma_semaphore, #tpu.memory_space<semaphore_mem>>)
    %dma_wait3A_86 = arith.constant 24 : i32
    %dma_wait3A_87 = tpu.memref_slice %arg5[%dma_wait3A_86] : memref<1024xi32, #tpu.memory_space<vmem>> -> memref<8xi32, #tpu.memory_space<vmem>>
    %dma_wait3A_88 = arith.constant 0 : i32
    %dma_wait3A_89 = arith.constant 0 : i32
    %dma_wait3A_90 = tpu.memref_slice %arg2[%dma_wait3A_88, %dma_wait3A_89] : memref<100000x2048xf32, #tpu.memory_space<hbm>> -> memref<100000x2048xf32, #tpu.memory_space<hbm>>
    tpu.wait_indirect_dma semaphore(%arg13 : memref<!tpu.dma_semaphore, #tpu.memory_space<semaphore_mem>>) src(%dma_wait3A_90 : memref<100000x2048xf32, #tpu.memory_space<hbm>>) dst(%arg9 : memref<8x2048xf32, #tpu.memory_space<vmem>>)
    %add3A_91 = arith.constant 24 : i32
    %add3A_92 = arith.addi %mul3A_2, %add3A_91 : i32
    %dma_start3A_93 = tpu.memref_reshape %arg4 : memref<8192x4x2048xf32, #tpu.memory_space<hbm>> -> memref<32768x2048xf32, #tpu.memory_space<hbm>>
    %dma_start3A_94 = arith.constant 0 : i32
    %dma_start3A_95 = tpu.memref_slice %dma_start3A_93[%add3A_92, %dma_start3A_94] : memref<32768x2048xf32, #tpu.memory_space<hbm>> -> memref<8x2048xf32, #tpu.memory_space<hbm>>
    %dma_start3A_96 = tpu.memref_reshape %arg4 : memref<8192x4x2048xf32, #tpu.memory_space<hbm>> -> memref<32768x2048xf32, #tpu.memory_space<hbm>>
    %dma_start3A_97 = arith.constant 0 : i32
    %dma_start3A_98 = tpu.memref_slice %dma_start3A_96[%add3A_92, %dma_start3A_97] : memref<32768x2048xf32, #tpu.memory_space<hbm>> -> memref<8x2048xf32, #tpu.memory_space<hbm>>
    tpu.enqueue_dma source(%arg9 : memref<8x2048xf32, #tpu.memory_space<vmem>>) target(%dma_start3A_98 : memref<8x2048xf32, #tpu.memory_space<hbm>>) target_semaphore(%arg17 : memref<!tpu.dma_semaphore, #tpu.memory_space<semaphore_mem>>)
    %scan3A = arith.constant 0 : i32
    %scan3A_99 = arith.constant 1 : i32
    %scan3A_100 = arith.constant 30 : i32
    %scan3A_101 = arith.addi %scan3A_99, %scan3A_100 : i32
    %scan3A_102 = arith.constant 1 : i32
    %scan3A_103 = scf.for %scan3A_215 = %scan3A_99 to %scan3A_101 step %scan3A_102 iter_args(%scan3A_216 = %scan3A) -> (i32)  : i32 {
      %mul3A_217 = arith.constant 4 : i32
      %mul3A_218 = arith.muli %scan3A_215, %mul3A_217 : i32
      %add3A_219 = arith.constant 0 : i32
      %add3A_220 = arith.addi %mul3A_218, %add3A_219 : i32
      %add3A_221 = arith.constant 2 : i32
      %add3A_222 = arith.addi %add3A_220, %add3A_221 : i32
      %sub3A = arith.constant 4 : i32
      %sub3A_223 = arith.subi %add3A_222, %sub3A : i32
      %mul3A_224 = arith.constant 8 : i32
      %mul3A_225 = arith.muli %sub3A_223, %mul3A_224 : i32
      %add3A_226 = arith.addi %mul3A_2, %mul3A_225 : i32
      %dma_wait3A_227 = tpu.memref_reshape %arg4 : memref<8192x4x2048xf32, #tpu.memory_space<hbm>> -> memref<32768x2048xf32, #tpu.memory_space<hbm>>
      %dma_wait3A_228 = arith.constant 0 : i32
      %dma_wait3A_229 = tpu.memref_slice %dma_wait3A_227[%add3A_226, %dma_wait3A_228] : memref<32768x2048xf32, #tpu.memory_space<hbm>> -> memref<8x2048xf32, #tpu.memory_space<hbm>>
      %dma_wait3A_230 = tpu.memref_reshape %arg4 : memref<8192x4x2048xf32, #tpu.memory_space<hbm>> -> memref<32768x2048xf32, #tpu.memory_space<hbm>>
      %dma_wait3A_231 = arith.constant 0 : i32
      %dma_wait3A_232 = tpu.memref_slice %dma_wait3A_230[%add3A_226, %dma_wait3A_231] : memref<32768x2048xf32, #tpu.memory_space<hbm>> -> memref<8x2048xf32, #tpu.memory_space<hbm>>
      tpu.wait_dma2 semaphore(%arg16 : memref<!tpu.dma_semaphore, #tpu.memory_space<semaphore_mem>>) src(%arg8 : memref<8x2048xf32, #tpu.memory_space<vmem>>) dst(%dma_wait3A_232 : memref<8x2048xf32, #tpu.memory_space<hbm>>)
      %add3A_233 = arith.constant 2 : i32
      %add3A_234 = arith.addi %add3A_220, %add3A_233 : i32
      %mul3A_235 = arith.constant 8 : i32
      %mul3A_236 = arith.muli %add3A_234, %mul3A_235 : i32
      %dma_start3A_237 = tpu.memref_slice %arg5[%mul3A_236] : memref<1024xi32, #tpu.memory_space<vmem>> -> memref<8xi32, #tpu.memory_space<vmem>>
      %dma_start3A_238 = arith.constant 0 : i32
      %dma_start3A_239 = arith.constant 0 : i32
      %dma_start3A_240 = tpu.memref_slice %arg2[%dma_start3A_238, %dma_start3A_239] : memref<100000x2048xf32, #tpu.memory_space<hbm>> -> memref<100000x2048xf32, #tpu.memory_space<hbm>>
      tpu.enqueue_indirect_dma source(%dma_start3A_240 : memref<100000x2048xf32, #tpu.memory_space<hbm>>) target(%arg8 : memref<8x2048xf32, #tpu.memory_space<vmem>>) offsets(%dma_start3A_237 : memref<8xi32, #tpu.memory_space<vmem>>) semaphore(%arg12 : memref<!tpu.dma_semaphore, #tpu.memory_space<semaphore_mem>>)
      %mul3A_241 = arith.constant 8 : i32
      %mul3A_242 = arith.muli %add3A_220, %mul3A_241 : i32
      %dma_wait3A_243 = tpu.memref_slice %arg5[%mul3A_242] : memref<1024xi32, #tpu.memory_space<vmem>> -> memref<8xi32, #tpu.memory_space<vmem>>
      %dma_wait3A_244 = arith.constant 0 : i32
      %dma_wait3A_245 = arith.constant 0 : i32
      %dma_wait3A_246 = tpu.memref_slice %arg2[%dma_wait3A_244, %dma_wait3A_245] : memref<100000x2048xf32, #tpu.memory_space<hbm>> -> memref<100000x2048xf32, #tpu.memory_space<hbm>>
      tpu.wait_indirect_dma semaphore(%arg10 : memref<!tpu.dma_semaphore, #tpu.memory_space<semaphore_mem>>) src(%dma_wait3A_246 : memref<100000x2048xf32, #tpu.memory_space<hbm>>) dst(%arg6 : memref<8x2048xf32, #tpu.memory_space<vmem>>)
      %mul3A_247 = arith.constant 8 : i32
      %mul3A_248 = arith.muli %add3A_220, %mul3A_247 : i32
      %add3A_249 = arith.addi %mul3A_2, %mul3A_248 : i32
      %dma_start3A_250 = tpu.memref_reshape %arg4 : memref<8192x4x2048xf32, #tpu.memory_space<hbm>> -> memref<32768x2048xf32, #tpu.memory_space<hbm>>
      %dma_start3A_251 = arith.constant 0 : i32
      %dma_start3A_252 = tpu.memref_slice %dma_start3A_250[%add3A_249, %dma_start3A_251] : memref<32768x2048xf32, #tpu.memory_space<hbm>> -> memref<8x2048xf32, #tpu.memory_space<hbm>>
      %dma_start3A_253 = tpu.memref_reshape %arg4 : memref<8192x4x2048xf32, #tpu.memory_space<hbm>> -> memref<32768x2048xf32, #tpu.memory_space<hbm>>
      %dma_start3A_254 = arith.constant 0 : i32
      %dma_start3A_255 = tpu.memref_slice %dma_start3A_253[%add3A_249, %dma_start3A_254] : memref<32768x2048xf32, #tpu.memory_space<hbm>> -> memref<8x2048xf32, #tpu.memory_space<hbm>>
      tpu.enqueue_dma source(%arg6 : memref<8x2048xf32, #tpu.memory_space<vmem>>) target(%dma_start3A_255 : memref<8x2048xf32, #tpu.memory_space<hbm>>) target_semaphore(%arg14 : memref<!tpu.dma_semaphore, #tpu.memory_space<semaphore_mem>>)
      %add3A_256 = arith.constant 1 : i32
      %add3A_257 = arith.addi %mul3A_218, %add3A_256 : i32
      %add3A_258 = arith.constant 2 : i32
      %add3A_259 = arith.addi %add3A_257, %add3A_258 : i32
      %sub3A_260 = arith.constant 4 : i32
      %sub3A_261 = arith.subi %add3A_259, %sub3A_260 : i32
      %mul3A_262 = arith.constant 8 : i32
      %mul3A_263 = arith.muli %sub3A_261, %mul3A_262 : i32
      %add3A_264 = arith.addi %mul3A_2, %mul3A_263 : i32
      %dma_wait3A_265 = tpu.memref_reshape %arg4 : memref<8192x4x2048xf32, #tpu.memory_space<hbm>> -> memref<32768x2048xf32, #tpu.memory_space<hbm>>
      %dma_wait3A_266 = arith.constant 0 : i32
      %dma_wait3A_267 = tpu.memref_slice %dma_wait3A_265[%add3A_264, %dma_wait3A_266] : memref<32768x2048xf32, #tpu.memory_space<hbm>> -> memref<8x2048xf32, #tpu.memory_space<hbm>>
      %dma_wait3A_268 = tpu.memref_reshape %arg4 : memref<8192x4x2048xf32, #tpu.memory_space<hbm>> -> memref<32768x2048xf32, #tpu.memory_space<hbm>>
      %dma_wait3A_269 = arith.constant 0 : i32
      %dma_wait3A_270 = tpu.memref_slice %dma_wait3A_268[%add3A_264, %dma_wait3A_269] : memref<32768x2048xf32, #tpu.memory_space<hbm>> -> memref<8x2048xf32, #tpu.memory_space<hbm>>
      tpu.wait_dma2 semaphore(%arg17 : memref<!tpu.dma_semaphore, #tpu.memory_space<semaphore_mem>>) src(%arg9 : memref<8x2048xf32, #tpu.memory_space<vmem>>) dst(%dma_wait3A_270 : memref<8x2048xf32, #tpu.memory_space<hbm>>)
      %add3A_271 = arith.constant 2 : i32
      %add3A_272 = arith.addi %add3A_257, %add3A_271 : i32
      %mul3A_273 = arith.constant 8 : i32
      %mul3A_274 = arith.muli %add3A_272, %mul3A_273 : i32
      %dma_start3A_275 = tpu.memref_slice %arg5[%mul3A_274] : memref<1024xi32, #tpu.memory_space<vmem>> -> memref<8xi32, #tpu.memory_space<vmem>>
      %dma_start3A_276 = arith.constant 0 : i32
      %dma_start3A_277 = arith.constant 0 : i32
      %dma_start3A_278 = tpu.memref_slice %arg2[%dma_start3A_276, %dma_start3A_277] : memref<100000x2048xf32, #tpu.memory_space<hbm>> -> memref<100000x2048xf32, #tpu.memory_space<hbm>>
      tpu.enqueue_indirect_dma source(%dma_start3A_278 : memref<100000x2048xf32, #tpu.memory_space<hbm>>) target(%arg9 : memref<8x2048xf32, #tpu.memory_space<vmem>>) offsets(%dma_start3A_275 : memref<8xi32, #tpu.memory_space<vmem>>) semaphore(%arg13 : memref<!tpu.dma_semaphore, #tpu.memory_space<semaphore_mem>>)
      %mul3A_279 = arith.constant 8 : i32
      %mul3A_280 = arith.muli %add3A_257, %mul3A_279 : i32
      %dma_wait3A_281 = tpu.memref_slice %arg5[%mul3A_280] : memref<1024xi32, #tpu.memory_space<vmem>> -> memref<8xi32, #tpu.memory_space<vmem>>
      %dma_wait3A_282 = arith.constant 0 : i32
      %dma_wait3A_283 = arith.constant 0 : i32
      %dma_wait3A_284 = tpu.memref_slice %arg2[%dma_wait3A_282, %dma_wait3A_283] : memref<100000x2048xf32, #tpu.memory_space<hbm>> -> memref<100000x2048xf32, #tpu.memory_space<hbm>>
      tpu.wait_indirect_dma semaphore(%arg11 : memref<!tpu.dma_semaphore, #tpu.memory_space<semaphore_mem>>) src(%dma_wait3A_284 : memref<100000x2048xf32, #tpu.memory_space<hbm>>) dst(%arg7 : memref<8x2048xf32, #tpu.memory_space<vmem>>)
      %mul3A_285 = arith.constant 8 : i32
      %mul3A_286 = arith.muli %add3A_257, %mul3A_285 : i32
      %add3A_287 = arith.addi %mul3A_2, %mul3A_286 : i32
      %dma_start3A_288 = tpu.memref_reshape %arg4 : memref<8192x4x2048xf32, #tpu.memory_space<hbm>> -> memref<32768x2048xf32, #tpu.memory_space<hbm>>
      %dma_start3A_289 = arith.constant 0 : i32
      %dma_start3A_290 = tpu.memref_slice %dma_start3A_288[%add3A_287, %dma_start3A_289] : memref<32768x2048xf32, #tpu.memory_space<hbm>> -> memref<8x2048xf32, #tpu.memory_space<hbm>>
      %dma_start3A_291 = tpu.memref_reshape %arg4 : memref<8192x4x2048xf32, #tpu.memory_space<hbm>> -> memref<32768x2048xf32, #tpu.memory_space<hbm>>
      %dma_start3A_292 = arith.constant 0 : i32
      %dma_start3A_293 = tpu.memref_slice %dma_start3A_291[%add3A_287, %dma_start3A_292] : memref<32768x2048xf32, #tpu.memory_space<hbm>> -> memref<8x2048xf32, #tpu.memory_space<hbm>>
      tpu.enqueue_dma source(%arg7 : memref<8x2048xf32, #tpu.memory_space<vmem>>) target(%dma_start3A_293 : memref<8x2048xf32, #tpu.memory_space<hbm>>) target_semaphore(%arg15 : memref<!tpu.dma_semaphore, #tpu.memory_space<semaphore_mem>>)
      %add3A_294 = arith.constant 2 : i32
      %add3A_295 = arith.addi %mul3A_218, %add3A_294 : i32
      %add3A_296 = arith.constant 2 : i32
      %add3A_297 = arith.addi %add3A_295, %add3A_296 : i32
      %sub3A_298 = arith.constant 4 : i32
      %sub3A_299 = arith.subi %add3A_297, %sub3A_298 : i32
      %mul3A_300 = arith.constant 8 : i32
      %mul3A_301 = arith.muli %sub3A_299, %mul3A_300 : i32
      %add3A_302 = arith.addi %mul3A_2, %mul3A_301 : i32
      %dma_wait3A_303 = tpu.memref_reshape %arg4 : memref<8192x4x2048xf32, #tpu.memory_space<hbm>> -> memref<32768x2048xf32, #tpu.memory_space<hbm>>
      %dma_wait3A_304 = arith.constant 0 : i32
      %dma_wait3A_305 = tpu.memref_slice %dma_wait3A_303[%add3A_302, %dma_wait3A_304] : memref<32768x2048xf32, #tpu.memory_space<hbm>> -> memref<8x2048xf32, #tpu.memory_space<hbm>>
      %dma_wait3A_306 = tpu.memref_reshape %arg4 : memref<8192x4x2048xf32, #tpu.memory_space<hbm>> -> memref<32768x2048xf32, #tpu.memory_space<hbm>>
      %dma_wait3A_307 = arith.constant 0 : i32
      %dma_wait3A_308 = tpu.memref_slice %dma_wait3A_306[%add3A_302, %dma_wait3A_307] : memref<32768x2048xf32, #tpu.memory_space<hbm>> -> memref<8x2048xf32, #tpu.memory_space<hbm>>
      tpu.wait_dma2 semaphore(%arg14 : memref<!tpu.dma_semaphore, #tpu.memory_space<semaphore_mem>>) src(%arg6 : memref<8x2048xf32, #tpu.memory_space<vmem>>) dst(%dma_wait3A_308 : memref<8x2048xf32, #tpu.memory_space<hbm>>)
      %add3A_309 = arith.constant 2 : i32
      %add3A_310 = arith.addi %add3A_295, %add3A_309 : i32
      %mul3A_311 = arith.constant 8 : i32
      %mul3A_312 = arith.muli %add3A_310, %mul3A_311 : i32
      %dma_start3A_313 = tpu.memref_slice %arg5[%mul3A_312] : memref<1024xi32, #tpu.memory_space<vmem>> -> memref<8xi32, #tpu.memory_space<vmem>>
      %dma_start3A_314 = arith.constant 0 : i32
      %dma_start3A_315 = arith.constant 0 : i32
      %dma_start3A_316 = tpu.memref_slice %arg2[%dma_start3A_314, %dma_start3A_315] : memref<100000x2048xf32, #tpu.memory_space<hbm>> -> memref<100000x2048xf32, #tpu.memory_space<hbm>>
      tpu.enqueue_indirect_dma source(%dma_start3A_316 : memref<100000x2048xf32, #tpu.memory_space<hbm>>) target(%arg6 : memref<8x2048xf32, #tpu.memory_space<vmem>>) offsets(%dma_start3A_313 : memref<8xi32, #tpu.memory_space<vmem>>) semaphore(%arg10 : memref<!tpu.dma_semaphore, #tpu.memory_space<semaphore_mem>>)
      %mul3A_317 = arith.constant 8 : i32
      %mul3A_318 = arith.muli %add3A_295, %mul3A_317 : i32
      %dma_wait3A_319 = tpu.memref_slice %arg5[%mul3A_318] : memref<1024xi32, #tpu.memory_space<vmem>> -> memref<8xi32, #tpu.memory_space<vmem>>
      %dma_wait3A_320 = arith.constant 0 : i32
      %dma_wait3A_321 = arith.constant 0 : i32
      %dma_wait3A_322 = tpu.memref_slice %arg2[%dma_wait3A_320, %dma_wait3A_321] : memref<100000x2048xf32, #tpu.memory_space<hbm>> -> memref<100000x2048xf32, #tpu.memory_space<hbm>>
      tpu.wait_indirect_dma semaphore(%arg12 : memref<!tpu.dma_semaphore, #tpu.memory_space<semaphore_mem>>) src(%dma_wait3A_322 : memref<100000x2048xf32, #tpu.memory_space<hbm>>) dst(%arg8 : memref<8x2048xf32, #tpu.memory_space<vmem>>)
      %mul3A_323 = arith.constant 8 : i32
      %mul3A_324 = arith.muli %add3A_295, %mul3A_323 : i32
      %add3A_325 = arith.addi %mul3A_2, %mul3A_324 : i32
      %dma_start3A_326 = tpu.memref_reshape %arg4 : memref<8192x4x2048xf32, #tpu.memory_space<hbm>> -> memref<32768x2048xf32, #tpu.memory_space<hbm>>
      %dma_start3A_327 = arith.constant 0 : i32
      %dma_start3A_328 = tpu.memref_slice %dma_start3A_326[%add3A_325, %dma_start3A_327] : memref<32768x2048xf32, #tpu.memory_space<hbm>> -> memref<8x2048xf32, #tpu.memory_space<hbm>>
      %dma_start3A_329 = tpu.memref_reshape %arg4 : memref<8192x4x2048xf32, #tpu.memory_space<hbm>> -> memref<32768x2048xf32, #tpu.memory_space<hbm>>
      %dma_start3A_330 = arith.constant 0 : i32
      %dma_start3A_331 = tpu.memref_slice %dma_start3A_329[%add3A_325, %dma_start3A_330] : memref<32768x2048xf32, #tpu.memory_space<hbm>> -> memref<8x2048xf32, #tpu.memory_space<hbm>>
      tpu.enqueue_dma source(%arg8 : memref<8x2048xf32, #tpu.memory_space<vmem>>) target(%dma_start3A_331 : memref<8x2048xf32, #tpu.memory_space<hbm>>) target_semaphore(%arg16 : memref<!tpu.dma_semaphore, #tpu.memory_space<semaphore_mem>>)
      %add3A_332 = arith.constant 3 : i32
      %add3A_333 = arith.addi %mul3A_218, %add3A_332 : i32
      %add3A_334 = arith.constant 2 : i32
      %add3A_335 = arith.addi %add3A_333, %add3A_334 : i32
      %sub3A_336 = arith.constant 4 : i32
      %sub3A_337 = arith.subi %add3A_335, %sub3A_336 : i32
      %mul3A_338 = arith.constant 8 : i32
      %mul3A_339 = arith.muli %sub3A_337, %mul3A_338 : i32
      %add3A_340 = arith.addi %mul3A_2, %mul3A_339 : i32
      %dma_wait3A_341 = tpu.memref_reshape %arg4 : memref<8192x4x2048xf32, #tpu.memory_space<hbm>> -> memref<32768x2048xf32, #tpu.memory_space<hbm>>
      %dma_wait3A_342 = arith.constant 0 : i32
      %dma_wait3A_343 = tpu.memref_slice %dma_wait3A_341[%add3A_340, %dma_wait3A_342] : memref<32768x2048xf32, #tpu.memory_space<hbm>> -> memref<8x2048xf32, #tpu.memory_space<hbm>>
      %dma_wait3A_344 = tpu.memref_reshape %arg4 : memref<8192x4x2048xf32, #tpu.memory_space<hbm>> -> memref<32768x2048xf32, #tpu.memory_space<hbm>>
      %dma_wait3A_345 = arith.constant 0 : i32
      %dma_wait3A_346 = tpu.memref_slice %dma_wait3A_344[%add3A_340, %dma_wait3A_345] : memref<32768x2048xf32, #tpu.memory_space<hbm>> -> memref<8x2048xf32, #tpu.memory_space<hbm>>
      tpu.wait_dma2 semaphore(%arg15 : memref<!tpu.dma_semaphore, #tpu.memory_space<semaphore_mem>>) src(%arg7 : memref<8x2048xf32, #tpu.memory_space<vmem>>) dst(%dma_wait3A_346 : memref<8x2048xf32, #tpu.memory_space<hbm>>)
      %add3A_347 = arith.constant 2 : i32
      %add3A_348 = arith.addi %add3A_333, %add3A_347 : i32
      %mul3A_349 = arith.constant 8 : i32
      %mul3A_350 = arith.muli %add3A_348, %mul3A_349 : i32
      %dma_start3A_351 = tpu.memref_slice %arg5[%mul3A_350] : memref<1024xi32, #tpu.memory_space<vmem>> -> memref<8xi32, #tpu.memory_space<vmem>>
      %dma_start3A_352 = arith.constant 0 : i32
      %dma_start3A_353 = arith.constant 0 : i32
      %dma_start3A_354 = tpu.memref_slice %arg2[%dma_start3A_352, %dma_start3A_353] : memref<100000x2048xf32, #tpu.memory_space<hbm>> -> memref<100000x2048xf32, #tpu.memory_space<hbm>>
      tpu.enqueue_indirect_dma source(%dma_start3A_354 : memref<100000x2048xf32, #tpu.memory_space<hbm>>) target(%arg7 : memref<8x2048xf32, #tpu.memory_space<vmem>>) offsets(%dma_start3A_351 : memref<8xi32, #tpu.memory_space<vmem>>) semaphore(%arg11 : memref<!tpu.dma_semaphore, #tpu.memory_space<semaphore_mem>>)
      %mul3A_355 = arith.constant 8 : i32
      %mul3A_356 = arith.muli %add3A_333, %mul3A_355 : i32
      %dma_wait3A_357 = tpu.memref_slice %arg5[%mul3A_356] : memref<1024xi32, #tpu.memory_space<vmem>> -> memref<8xi32, #tpu.memory_space<vmem>>
      %dma_wait3A_358 = arith.constant 0 : i32
      %dma_wait3A_359 = arith.constant 0 : i32
      %dma_wait3A_360 = tpu.memref_slice %arg2[%dma_wait3A_358, %dma_wait3A_359] : memref<100000x2048xf32, #tpu.memory_space<hbm>> -> memref<100000x2048xf32, #tpu.memory_space<hbm>>
      tpu.wait_indirect_dma semaphore(%arg13 : memref<!tpu.dma_semaphore, #tpu.memory_space<semaphore_mem>>) src(%dma_wait3A_360 : memref<100000x2048xf32, #tpu.memory_space<hbm>>) dst(%arg9 : memref<8x2048xf32, #tpu.memory_space<vmem>>)
      %mul3A_361 = arith.constant 8 : i32
      %mul3A_362 = arith.muli %add3A_333, %mul3A_361 : i32
      %add3A_363 = arith.addi %mul3A_2, %mul3A_362 : i32
      %dma_start3A_364 = tpu.memref_reshape %arg4 : memref<8192x4x2048xf32, #tpu.memory_space<hbm>> -> memref<32768x2048xf32, #tpu.memory_space<hbm>>
      %dma_start3A_365 = arith.constant 0 : i32
      %dma_start3A_366 = tpu.memref_slice %dma_start3A_364[%add3A_363, %dma_start3A_365] : memref<32768x2048xf32, #tpu.memory_space<hbm>> -> memref<8x2048xf32, #tpu.memory_space<hbm>>
      %dma_start3A_367 = tpu.memref_reshape %arg4 : memref<8192x4x2048xf32, #tpu.memory_space<hbm>> -> memref<32768x2048xf32, #tpu.memory_space<hbm>>
      %dma_start3A_368 = arith.constant 0 : i32
      %dma_start3A_369 = tpu.memref_slice %dma_start3A_367[%add3A_363, %dma_start3A_368] : memref<32768x2048xf32, #tpu.memory_space<hbm>> -> memref<8x2048xf32, #tpu.memory_space<hbm>>
      tpu.enqueue_dma source(%arg9 : memref<8x2048xf32, #tpu.memory_space<vmem>>) target(%dma_start3A_369 : memref<8x2048xf32, #tpu.memory_space<hbm>>) target_semaphore(%arg17 : memref<!tpu.dma_semaphore, #tpu.memory_space<semaphore_mem>>)
      %scan3A_370 = arith.constant 0 : i32
      scf.yield %scan3A_370 : i32
    }
    %scan3A_104 = arith.constant 30 : i32
    %add3A_105 = arith.constant 976 : i32
    %add3A_106 = arith.addi %mul3A_2, %add3A_105 : i32
    %dma_wait3A_107 = tpu.memref_reshape %arg4 : memref<8192x4x2048xf32, #tpu.memory_space<hbm>> -> memref<32768x2048xf32, #tpu.memory_space<hbm>>
    %dma_wait3A_108 = arith.constant 0 : i32
    %dma_wait3A_109 = tpu.memref_slice %dma_wait3A_107[%add3A_106, %dma_wait3A_108] : memref<32768x2048xf32, #tpu.memory_space<hbm>> -> memref<8x2048xf32, #tpu.memory_space<hbm>>
    %dma_wait3A_110 = tpu.memref_reshape %arg4 : memref<8192x4x2048xf32, #tpu.memory_space<hbm>> -> memref<32768x2048xf32, #tpu.memory_space<hbm>>
    %dma_wait3A_111 = arith.constant 0 : i32
    %dma_wait3A_112 = tpu.memref_slice %dma_wait3A_110[%add3A_106, %dma_wait3A_111] : memref<32768x2048xf32, #tpu.memory_space<hbm>> -> memref<8x2048xf32, #tpu.memory_space<hbm>>
    tpu.wait_dma2 semaphore(%arg16 : memref<!tpu.dma_semaphore, #tpu.memory_space<semaphore_mem>>) src(%arg8 : memref<8x2048xf32, #tpu.memory_space<vmem>>) dst(%dma_wait3A_112 : memref<8x2048xf32, #tpu.memory_space<hbm>>)
    %dma_start3A_113 = arith.constant 1008 : i32
    %dma_start3A_114 = tpu.memref_slice %arg5[%dma_start3A_113] : memref<1024xi32, #tpu.memory_space<vmem>> -> memref<8xi32, #tpu.memory_space<vmem>>
    %dma_start3A_115 = arith.constant 0 : i32
    %dma_start3A_116 = arith.constant 0 : i32
    %dma_start3A_117 = tpu.memref_slice %arg2[%dma_start3A_115, %dma_start3A_116] : memref<100000x2048xf32, #tpu.memory_space<hbm>> -> memref<100000x2048xf32, #tpu.memory_space<hbm>>
    tpu.enqueue_indirect_dma source(%dma_start3A_117 : memref<100000x2048xf32, #tpu.memory_space<hbm>>) target(%arg8 : memref<8x2048xf32, #tpu.memory_space<vmem>>) offsets(%dma_start3A_114 : memref<8xi32, #tpu.memory_space<vmem>>) semaphore(%arg12 : memref<!tpu.dma_semaphore, #tpu.memory_space<semaphore_mem>>)
    %dma_wait3A_118 = arith.constant 992 : i32
    %dma_wait3A_119 = tpu.memref_slice %arg5[%dma_wait3A_118] : memref<1024xi32, #tpu.memory_space<vmem>> -> memref<8xi32, #tpu.memory_space<vmem>>
    %dma_wait3A_120 = arith.constant 0 : i32
    %dma_wait3A_121 = arith.constant 0 : i32
    %dma_wait3A_122 = tpu.memref_slice %arg2[%dma_wait3A_120, %dma_wait3A_121] : memref<100000x2048xf32, #tpu.memory_space<hbm>> -> memref<100000x2048xf32, #tpu.memory_space<hbm>>
    tpu.wait_indirect_dma semaphore(%arg10 : memref<!tpu.dma_semaphore, #tpu.memory_space<semaphore_mem>>) src(%dma_wait3A_122 : memref<100000x2048xf32, #tpu.memory_space<hbm>>) dst(%arg6 : memref<8x2048xf32, #tpu.memory_space<vmem>>)
    %add3A_123 = arith.constant 992 : i32
    %add3A_124 = arith.addi %mul3A_2, %add3A_123 : i32
    %dma_start3A_125 = tpu.memref_reshape %arg4 : memref<8192x4x2048xf32, #tpu.memory_space<hbm>> -> memref<32768x2048xf32, #tpu.memory_space<hbm>>
    %dma_start3A_126 = arith.constant 0 : i32
    %dma_start3A_127 = tpu.memref_slice %dma_start3A_125[%add3A_124, %dma_start3A_126] : memref<32768x2048xf32, #tpu.memory_space<hbm>> -> memref<8x2048xf32, #tpu.memory_space<hbm>>
    %dma_start3A_128 = tpu.memref_reshape %arg4 : memref<8192x4x2048xf32, #tpu.memory_space<hbm>> -> memref<32768x2048xf32, #tpu.memory_space<hbm>>
    %dma_start3A_129 = arith.constant 0 : i32
    %dma_start3A_130 = tpu.memref_slice %dma_start3A_128[%add3A_124, %dma_start3A_129] : memref<32768x2048xf32, #tpu.memory_space<hbm>> -> memref<8x2048xf32, #tpu.memory_space<hbm>>
    tpu.enqueue_dma source(%arg6 : memref<8x2048xf32, #tpu.memory_space<vmem>>) target(%dma_start3A_130 : memref<8x2048xf32, #tpu.memory_space<hbm>>) target_semaphore(%arg14 : memref<!tpu.dma_semaphore, #tpu.memory_space<semaphore_mem>>)
    %add3A_131 = arith.constant 984 : i32
    %add3A_132 = arith.addi %mul3A_2, %add3A_131 : i32
    %dma_wait3A_133 = tpu.memref_reshape %arg4 : memref<8192x4x2048xf32, #tpu.memory_space<hbm>> -> memref<32768x2048xf32, #tpu.memory_space<hbm>>
    %dma_wait3A_134 = arith.constant 0 : i32
    %dma_wait3A_135 = tpu.memref_slice %dma_wait3A_133[%add3A_132, %dma_wait3A_134] : memref<32768x2048xf32, #tpu.memory_space<hbm>> -> memref<8x2048xf32, #tpu.memory_space<hbm>>
    %dma_wait3A_136 = tpu.memref_reshape %arg4 : memref<8192x4x2048xf32, #tpu.memory_space<hbm>> -> memref<32768x2048xf32, #tpu.memory_space<hbm>>
    %dma_wait3A_137 = arith.constant 0 : i32
    %dma_wait3A_138 = tpu.memref_slice %dma_wait3A_136[%add3A_132, %dma_wait3A_137] : memref<32768x2048xf32, #tpu.memory_space<hbm>> -> memref<8x2048xf32, #tpu.memory_space<hbm>>
    tpu.wait_dma2 semaphore(%arg17 : memref<!tpu.dma_semaphore, #tpu.memory_space<semaphore_mem>>) src(%arg9 : memref<8x2048xf32, #tpu.memory_space<vmem>>) dst(%dma_wait3A_138 : memref<8x2048xf32, #tpu.memory_space<hbm>>)
    %dma_start3A_139 = arith.constant 1016 : i32
    %dma_start3A_140 = tpu.memref_slice %arg5[%dma_start3A_139] : memref<1024xi32, #tpu.memory_space<vmem>> -> memref<8xi32, #tpu.memory_space<vmem>>
    %dma_start3A_141 = arith.constant 0 : i32
    %dma_start3A_142 = arith.constant 0 : i32
    %dma_start3A_143 = tpu.memref_slice %arg2[%dma_start3A_141, %dma_start3A_142] : memref<100000x2048xf32, #tpu.memory_space<hbm>> -> memref<100000x2048xf32, #tpu.memory_space<hbm>>
    tpu.enqueue_indirect_dma source(%dma_start3A_143 : memref<100000x2048xf32, #tpu.memory_space<hbm>>) target(%arg9 : memref<8x2048xf32, #tpu.memory_space<vmem>>) offsets(%dma_start3A_140 : memref<8xi32, #tpu.memory_space<vmem>>) semaphore(%arg13 : memref<!tpu.dma_semaphore, #tpu.memory_space<semaphore_mem>>)
    %dma_wait3A_144 = arith.constant 1000 : i32
    %dma_wait3A_145 = tpu.memref_slice %arg5[%dma_wait3A_144] : memref<1024xi32, #tpu.memory_space<vmem>> -> memref<8xi32, #tpu.memory_space<vmem>>
    %dma_wait3A_146 = arith.constant 0 : i32
    %dma_wait3A_147 = arith.constant 0 : i32
    %dma_wait3A_148 = tpu.memref_slice %arg2[%dma_wait3A_146, %dma_wait3A_147] : memref<100000x2048xf32, #tpu.memory_space<hbm>> -> memref<100000x2048xf32, #tpu.memory_space<hbm>>
    tpu.wait_indirect_dma semaphore(%arg11 : memref<!tpu.dma_semaphore, #tpu.memory_space<semaphore_mem>>) src(%dma_wait3A_148 : memref<100000x2048xf32, #tpu.memory_space<hbm>>) dst(%arg7 : memref<8x2048xf32, #tpu.memory_space<vmem>>)
    %add3A_149 = arith.constant 1000 : i32
    %add3A_150 = arith.addi %mul3A_2, %add3A_149 : i32
    %dma_start3A_151 = tpu.memref_reshape %arg4 : memref<8192x4x2048xf32, #tpu.memory_space<hbm>> -> memref<32768x2048xf32, #tpu.memory_space<hbm>>
    %dma_start3A_152 = arith.constant 0 : i32
    %dma_start3A_153 = tpu.memref_slice %dma_start3A_151[%add3A_150, %dma_start3A_152] : memref<32768x2048xf32, #tpu.memory_space<hbm>> -> memref<8x2048xf32, #tpu.memory_space<hbm>>
    %dma_start3A_154 = tpu.memref_reshape %arg4 : memref<8192x4x2048xf32, #tpu.memory_space<hbm>> -> memref<32768x2048xf32, #tpu.memory_space<hbm>>
    %dma_start3A_155 = arith.constant 0 : i32
    %dma_start3A_156 = tpu.memref_slice %dma_start3A_154[%add3A_150, %dma_start3A_155] : memref<32768x2048xf32, #tpu.memory_space<hbm>> -> memref<8x2048xf32, #tpu.memory_space<hbm>>
    tpu.enqueue_dma source(%arg7 : memref<8x2048xf32, #tpu.memory_space<vmem>>) target(%dma_start3A_156 : memref<8x2048xf32, #tpu.memory_space<hbm>>) target_semaphore(%arg15 : memref<!tpu.dma_semaphore, #tpu.memory_space<semaphore_mem>>)
    %add3A_157 = arith.constant 992 : i32
    %add3A_158 = arith.addi %mul3A_2, %add3A_157 : i32
    %dma_wait3A_159 = tpu.memref_reshape %arg4 : memref<8192x4x2048xf32, #tpu.memory_space<hbm>> -> memref<32768x2048xf32, #tpu.memory_space<hbm>>
    %dma_wait3A_160 = arith.constant 0 : i32
    %dma_wait3A_161 = tpu.memref_slice %dma_wait3A_159[%add3A_158, %dma_wait3A_160] : memref<32768x2048xf32, #tpu.memory_space<hbm>> -> memref<8x2048xf32, #tpu.memory_space<hbm>>
    %dma_wait3A_162 = tpu.memref_reshape %arg4 : memref<8192x4x2048xf32, #tpu.memory_space<hbm>> -> memref<32768x2048xf32, #tpu.memory_space<hbm>>
    %dma_wait3A_163 = arith.constant 0 : i32
    %dma_wait3A_164 = tpu.memref_slice %dma_wait3A_162[%add3A_158, %dma_wait3A_163] : memref<32768x2048xf32, #tpu.memory_space<hbm>> -> memref<8x2048xf32, #tpu.memory_space<hbm>>
    tpu.wait_dma2 semaphore(%arg14 : memref<!tpu.dma_semaphore, #tpu.memory_space<semaphore_mem>>) src(%arg6 : memref<8x2048xf32, #tpu.memory_space<vmem>>) dst(%dma_wait3A_164 : memref<8x2048xf32, #tpu.memory_space<hbm>>)
    %dma_wait3A_165 = arith.constant 1008 : i32
    %dma_wait3A_166 = tpu.memref_slice %arg5[%dma_wait3A_165] : memref<1024xi32, #tpu.memory_space<vmem>> -> memref<8xi32, #tpu.memory_space<vmem>>
    %dma_wait3A_167 = arith.constant 0 : i32
    %dma_wait3A_168 = arith.constant 0 : i32
    %dma_wait3A_169 = tpu.memref_slice %arg2[%dma_wait3A_167, %dma_wait3A_168] : memref<100000x2048xf32, #tpu.memory_space<hbm>> -> memref<100000x2048xf32, #tpu.memory_space<hbm>>
    tpu.wait_indirect_dma semaphore(%arg12 : memref<!tpu.dma_semaphore, #tpu.memory_space<semaphore_mem>>) src(%dma_wait3A_169 : memref<100000x2048xf32, #tpu.memory_space<hbm>>) dst(%arg8 : memref<8x2048xf32, #tpu.memory_space<vmem>>)
    %add3A_170 = arith.constant 1008 : i32
    %add3A_171 = arith.addi %mul3A_2, %add3A_170 : i32
    %dma_start3A_172 = tpu.memref_reshape %arg4 : memref<8192x4x2048xf32, #tpu.memory_space<hbm>> -> memref<32768x2048xf32, #tpu.memory_space<hbm>>
    %dma_start3A_173 = arith.constant 0 : i32
    %dma_start3A_174 = tpu.memref_slice %dma_start3A_172[%add3A_171, %dma_start3A_173] : memref<32768x2048xf32, #tpu.memory_space<hbm>> -> memref<8x2048xf32, #tpu.memory_space<hbm>>
    %dma_start3A_175 = tpu.memref_reshape %arg4 : memref<8192x4x2048xf32, #tpu.memory_space<hbm>> -> memref<32768x2048xf32, #tpu.memory_space<hbm>>
    %dma_start3A_176 = arith.constant 0 : i32
    %dma_start3A_177 = tpu.memref_slice %dma_start3A_175[%add3A_171, %dma_start3A_176] : memref<32768x2048xf32, #tpu.memory_space<hbm>> -> memref<8x2048xf32, #tpu.memory_space<hbm>>
    tpu.enqueue_dma source(%arg8 : memref<8x2048xf32, #tpu.memory_space<vmem>>) target(%dma_start3A_177 : memref<8x2048xf32, #tpu.memory_space<hbm>>) target_semaphore(%arg16 : memref<!tpu.dma_semaphore, #tpu.memory_space<semaphore_mem>>)
    %add3A_178 = arith.constant 1000 : i32
    %add3A_179 = arith.addi %mul3A_2, %add3A_178 : i32
    %dma_wait3A_180 = tpu.memref_reshape %arg4 : memref<8192x4x2048xf32, #tpu.memory_space<hbm>> -> memref<32768x2048xf32, #tpu.memory_space<hbm>>
    %dma_wait3A_181 = arith.constant 0 : i32
    %dma_wait3A_182 = tpu.memref_slice %dma_wait3A_180[%add3A_179, %dma_wait3A_181] : memref<32768x2048xf32, #tpu.memory_space<hbm>> -> memref<8x2048xf32, #tpu.memory_space<hbm>>
    %dma_wait3A_183 = tpu.memref_reshape %arg4 : memref<8192x4x2048xf32, #tpu.memory_space<hbm>> -> memref<32768x2048xf32, #tpu.memory_space<hbm>>
    %dma_wait3A_184 = arith.constant 0 : i32
    %dma_wait3A_185 = tpu.memref_slice %dma_wait3A_183[%add3A_179, %dma_wait3A_184] : memref<32768x2048xf32, #tpu.memory_space<hbm>> -> memref<8x2048xf32, #tpu.memory_space<hbm>>
    tpu.wait_dma2 semaphore(%arg15 : memref<!tpu.dma_semaphore, #tpu.memory_space<semaphore_mem>>) src(%arg7 : memref<8x2048xf32, #tpu.memory_space<vmem>>) dst(%dma_wait3A_185 : memref<8x2048xf32, #tpu.memory_space<hbm>>)
    %dma_wait3A_186 = arith.constant 1016 : i32
    %dma_wait3A_187 = tpu.memref_slice %arg5[%dma_wait3A_186] : memref<1024xi32, #tpu.memory_space<vmem>> -> memref<8xi32, #tpu.memory_space<vmem>>
    %dma_wait3A_188 = arith.constant 0 : i32
    %dma_wait3A_189 = arith.constant 0 : i32
    %dma_wait3A_190 = tpu.memref_slice %arg2[%dma_wait3A_188, %dma_wait3A_189] : memref<100000x2048xf32, #tpu.memory_space<hbm>> -> memref<100000x2048xf32, #tpu.memory_space<hbm>>
    tpu.wait_indirect_dma semaphore(%arg13 : memref<!tpu.dma_semaphore, #tpu.memory_space<semaphore_mem>>) src(%dma_wait3A_190 : memref<100000x2048xf32, #tpu.memory_space<hbm>>) dst(%arg9 : memref<8x2048xf32, #tpu.memory_space<vmem>>)
    %add3A_191 = arith.constant 1016 : i32
    %add3A_192 = arith.addi %mul3A_2, %add3A_191 : i32
    %dma_start3A_193 = tpu.memref_reshape %arg4 : memref<8192x4x2048xf32, #tpu.memory_space<hbm>> -> memref<32768x2048xf32, #tpu.memory_space<hbm>>
    %dma_start3A_194 = arith.constant 0 : i32
    %dma_start3A_195 = tpu.memref_slice %dma_start3A_193[%add3A_192, %dma_start3A_194] : memref<32768x2048xf32, #tpu.memory_space<hbm>> -> memref<8x2048xf32, #tpu.memory_space<hbm>>
    %dma_start3A_196 = tpu.memref_reshape %arg4 : memref<8192x4x2048xf32, #tpu.memory_space<hbm>> -> memref<32768x2048xf32, #tpu.memory_space<hbm>>
    %dma_start3A_197 = arith.constant 0 : i32
    %dma_start3A_198 = tpu.memref_slice %dma_start3A_196[%add3A_192, %dma_start3A_197] : memref<32768x2048xf32, #tpu.memory_space<hbm>> -> memref<8x2048xf32, #tpu.memory_space<hbm>>
    tpu.enqueue_dma source(%arg9 : memref<8x2048xf32, #tpu.memory_space<vmem>>) target(%dma_start3A_198 : memref<8x2048xf32, #tpu.memory_space<hbm>>) target_semaphore(%arg17 : memref<!tpu.dma_semaphore, #tpu.memory_space<semaphore_mem>>)
    %add3A_199 = arith.constant 1008 : i32
    %add3A_200 = arith.addi %mul3A_2, %add3A_199 : i32
    %dma_wait3A_201 = tpu.memref_reshape %arg4 : memref<8192x4x2048xf32, #tpu.memory_space<hbm>> -> memref<32768x2048xf32, #tpu.memory_space<hbm>>
    %dma_wait3A_202 = arith.constant 0 : i32
    %dma_wait3A_203 = tpu.memref_slice %dma_wait3A_201[%add3A_200, %dma_wait3A_202] : memref<32768x2048xf32, #tpu.memory_space<hbm>> -> memref<8x2048xf32, #tpu.memory_space<hbm>>
    %dma_wait3A_204 = tpu.memref_reshape %arg4 : memref<8192x4x2048xf32, #tpu.memory_space<hbm>> -> memref<32768x2048xf32, #tpu.memory_space<hbm>>
    %dma_wait3A_205 = arith.constant 0 : i32
    %dma_wait3A_206 = tpu.memref_slice %dma_wait3A_204[%add3A_200, %dma_wait3A_205] : memref<32768x2048xf32, #tpu.memory_space<hbm>> -> memref<8x2048xf32, #tpu.memory_space<hbm>>
    tpu.wait_dma2 semaphore(%arg16 : memref<!tpu.dma_semaphore, #tpu.memory_space<semaphore_mem>>) src(%arg8 : memref<8x2048xf32, #tpu.memory_space<vmem>>) dst(%dma_wait3A_206 : memref<8x2048xf32, #tpu.memory_space<hbm>>)
    %add3A_207 = arith.constant 1016 : i32
    %add3A_208 = arith.addi %mul3A_2, %add3A_207 : i32
    %dma_wait3A_209 = tpu.memref_reshape %arg4 : memref<8192x4x2048xf32, #tpu.memory_space<hbm>> -> memref<32768x2048xf32, #tpu.memory_space<hbm>>
    %dma_wait3A_210 = arith.constant 0 : i32
    %dma_wait3A_211 = tpu.memref_slice %dma_wait3A_209[%add3A_208, %dma_wait3A_210] : memref<32768x2048xf32, #tpu.memory_space<hbm>> -> memref<8x2048xf32, #tpu.memory_space<hbm>>
    %dma_wait3A_212 = tpu.memref_reshape %arg4 : memref<8192x4x2048xf32, #tpu.memory_space<hbm>> -> memref<32768x2048xf32, #tpu.memory_space<hbm>>
    %dma_wait3A_213 = arith.constant 0 : i32
    %dma_wait3A_214 = tpu.memref_slice %dma_wait3A_212[%add3A_208, %dma_wait3A_213] : memref<32768x2048xf32, #tpu.memory_space<hbm>> -> memref<8x2048xf32, #tpu.memory_space<hbm>>
    tpu.wait_dma2 semaphore(%arg17 : memref<!tpu.dma_semaphore, #tpu.memory_space<semaphore_mem>>) src(%arg9 : memref<8x2048xf32, #tpu.memory_space<vmem>>) dst(%dma_wait3A_214 : memref<8x2048xf32, #tpu.memory_space<hbm>>)
    return
  }
}

</mosaic_0001>

<sc_bundles>
// kernel: kernel.3.cloned.1.call-start
scs
__scs_entry_jumppad:
0x0: {  	(pc) =	sbr.rel $0x88, $3  }
0x1: {  	(tag) =	ssettag $0x0;
	lr =	simm.s32 $0x1  }
0x2: {  	[smem:$0x3F9F] =	sst lr;
	_ =	strace $0xD0000000  }
0x3: {  	_ = 	snop  }
0x4: {  	_ = 	snop  }
0x5: {  	_ = 	snop  }
0x6: {  	_ = 	snop  }
0x7: {  	_ = 	snop  }
__scs_overlays_trampoline_lowered:
0x8: {  	[smem:$0x3FAE] =	sst s0  }
0x9: {  	[smem:$0x3FAF] =	sst s1  }
0xa: {  	[smem:$0x3FB0] =	sst s2  }
0xb: {  	[smem:$0x3FB1] =	sst s3  }
0xc: {  	[smem:$0x3FB2] =	sst s4  }
0xd: {  	[smem:$0x3FB3] =	sst s5  }
0xe: {  	[smem:$0x3FB4] =	sst s6  }
0xf: {  	[smem:$0x3FB5] =	sst s7  }
0x10: {  	[smem:$0x3FB6] =	sst s8  }
0x11: {  	[smem:$0x3FB7] =	sst s9;
	s0 =	simm.s32 @!p0 $0x0  }
0x12: {  	s1 =	sld [smem:$0x3F9D];
	s0 =	simm.s32 @p0 $0x1  }
0x13: {  	[smem:$0x3FB8] =	sst s0;
	s0 =	simm.s32 @!p1 $0x0  }
0x14: {  	s2 =	sld [smem:$0x3F9C];
	s0 =	simm.s32 @p1 $0x1  }
0x15: {  	[smem:$0x3FB9] =	sst s0;
	s0 =	simm.s32 @!p2 $0x0  }
0x16: {  	s3 =	sld [smem:$0x3FDB];
	s0 =	simm.s32 @p2 $0x1  }
0x17: {  	s4 =	simm.s32 $0x1BF5;
	[smem:$0x3FBB] =	sst s0  }
0x18: {  	s0 =	sld [smem:$0x3F9E];
	_ =	swait.ge [sflag:s4], $0x0  }
0x19: {  	s7 =	sld [smem:$0x3F9F]  }
0x1a: {  	s8 =	sadd.s32 $0xFFFFE003, lr  }
0x1b: {  	s9 =	sadd.s32 $0xFFFFFEF7, lr;
	s5 =	simm.s32 $0xFFFFFFFF;
	p2 =	slt.u32 s8, $0xFFFFF086  }
0x1c: {  	p1 =	slt.u32 s9, $0xF7A;
	s5 =	simm.s32 @!p2 $0x0  }
0x1d: {  	s5 =	simm.s32 @p1 $0x1;
	p0 =	seq.s32 s7, s2  }
0x1e: {  	s7 =	smul.u32 @!p0 $0xF7A, s2;
	p2 =	seq.s32 @!p0 s5, $0x0  }
0x1f: {  	s9 =	smul.u32 $0xF7A, s1;
	s8 =	simm.s32 @!p0 $0x1BF5;
	p2 =	por !p2, p0  }
0x20: {  	[sflag:s8] =	ssyncset.s32 @!p0 $0xFFFFF086;
	s6 =	sadd.s32 @!p0 s3, s7;
	s7 =	simm.s32 @!p0 $0x108  }
0x21: {  	s3 =	sadd.s32 s3, s9;
	s6 =	sadd.s32 @!p0 $0x88, s6;
	s7 =	simm.s32 @p2 $0x1082  }
0x22: {  	[simem:s7], [sflag:s8] =	dma.local @!p0 [hbm:s6], $0xF7A  }
0x23: {  	s9 =	sor.u32 $0xD0000000, s2;
	s6 =	simm.s32 $0x108;
	_ =	swait.ge @!p0 [sflag:s8], $0x0  }
0x24: {  	s3 =	sadd.s32 $0x88, s3;
	s6 =	simm.s32 @!p1 $0x1082;
	[sflag:s4] =	ssyncset.s32 $0xFFFFF086  }
0x25: {  	[simem:s6], [sflag:s4] =	dma.local [hbm:s3], $0xF7A  }
0x26: {  	[smem:$0x3F9F] =	sst s1;
	(tag) =	ssettag s2;
	_ =	strace s9  }
0x27: {  	s1 =	sld [smem:$0x3FAF]  }
0x28: {  	s2 =	sld [smem:$0x3FB0]  }
0x29: {  	s4 =	sld [smem:$0x3FB2]  }
0x2a: {  	p0 =	seq.s32 s5, $0x0;
	s5 =	sld [smem:$0x3FB3]  }
0x2b: {  	s6 =	sld [smem:$0x3FB4]  }
0x2c: {  	s7 =	sld [smem:$0x3FB5]  }
0x2d: {  	s3 =	simm.s32 $0x108;
	s8 =	sld [smem:$0x3FB6]  }
0x2e: {  	s3 =	simm.s32 @!p0 $0x1082;
	s9 =	sld [smem:$0x3FB7]  }
0x2f: {  	lr =	sadd.s32 s0, s3;
	s0 =	sld [smem:$0x3FAE]  }
0x30: {  	s3 =	sld [smem:$0x3FB1]  }
0x31: {  	[smem:$0x3FBA] =	sst s10  }
0x32: {  	s10 =	sld [smem:$0x3FB8];
	_ =	sdelay $0x3  }
0x33: {  	p0 =	seq.s32 s10, $0x1;
	s10 =	sld [smem:$0x3FBA];
	_ =	sdelay $0x3  }
0x34: {  	[smem:$0x3FBA] =	sst s10  }
0x35: {  	s10 =	sld [smem:$0x3FB9];
	_ =	sdelay $0x3  }
0x36: {  	p1 =	seq.s32 s10, $0x1;
	s10 =	sld [smem:$0x3FBA];
	_ =	sdelay $0x3  }
0x37: {  	[smem:$0x3FBA] =	sst s10  }
0x38: {  	s10 =	sld [smem:$0x3FBB]  }
0x39: {  	_ = 	snop;
	(pc) =	sbr.ind lr, $3  }
0x3a: {  	_ = 	snop  }
0x3b: {  	_ = 	snop  }
0x3c: {  	p2 =	seq.s32 s10, $0x1;
	s10 =	sld [smem:$0x3FBA]  }
0x3d: {  	_ =	shalt  }
0x3e: {  	_ =	shalt  }
0x3f: {  	_ =	shalt  }
0x40: {  	_ =	shalt  }
0x41: {  	_ =	shalt  }
0x42: {  	_ =	shalt  }
0x43: {  	_ =	shalt  }
0x44: {  	_ =	shalt  }
0x45: {  	_ =	shalt  }
0x46: {  	_ =	shalt  }
0x47: {  	_ =	shalt  }
0x48: {  	_ =	shalt  }
0x49: {  	_ =	shalt  }
0x4a: {  	_ =	shalt  }
0x4b: {  	_ =	shalt  }
0x4c: {  	_ =	shalt  }
0x4d: {  	_ =	shalt  }
0x4e: {  	_ =	shalt  }
0x4f: {  	_ =	shalt  }
0x50: {  	_ =	shalt  }
0x51: {  	_ =	shalt  }
0x52: {  	_ =	shalt  }
0x53: {  	_ =	shalt  }
0x54: {  	_ =	shalt  }
0x55: {  	_ =	shalt  }
0x56: {  	_ =	shalt  }
0x57: {  	_ =	shalt  }
0x58: {  	_ =	shalt  }
0x59: {  	_ =	shalt  }
0x5a: {  	_ =	shalt  }
0x5b: {  	_ =	shalt  }
0x5c: {  	_ =	shalt  }
0x5d: {  	_ =	shalt  }
0x5e: {  	_ =	shalt  }
0x5f: {  	_ =	shalt  }
0x60: {  	_ =	shalt  }
0x61: {  	_ =	shalt  }
0x62: {  	_ =	shalt  }
0x63: {  	_ =	shalt  }
0x64: {  	_ =	shalt  }
0x65: {  	_ =	shalt  }
0x66: {  	_ =	shalt  }
0x67: {  	_ =	shalt  }
0x68: {  	_ =	shalt  }
0x69: {  	_ =	shalt  }
0x6a: {  	_ =	shalt  }
0x6b: {  	_ =	shalt  }
0x6c: {  	_ =	shalt  }
0x6d: {  	_ =	shalt  }
0x6e: {  	_ =	shalt  }
0x6f: {  	_ =	shalt  }
0x70: {  	_ =	shalt  }
0x71: {  	_ =	shalt  }
0x72: {  	_ =	shalt  }
0x73: {  	_ =	shalt  }
0x74: {  	_ =	shalt  }
0x75: {  	_ =	shalt  }
0x76: {  	_ =	shalt  }
0x77: {  	_ =	shalt  }
0x78: {  	_ =	shalt  }
0x79: {  	_ =	shalt  }
0x7a: {  	_ =	shalt  }
0x7b: {  	_ =	shalt  }
0x7c: {  	_ =	shalt  }
0x7d: {  	_ =	shalt  }
0x7e: {  	_ =	shalt  }
0x7f: {  	_ =	shalt  }
0x80: {  	_ =	shalt  }
0x81: {  	_ =	shalt  }
0x82: {  	_ =	shalt  }
0x83: {  	_ =	shalt  }
0x84: {  	_ =	shalt  }
0x85: {  	_ =	shalt  }
0x86: {  	_ =	shalt  }
0x87: {  	_ =	shalt  }
.Lfunc_end0:
.L_simem_size_0:
called_computation_lowered:
.L_overlay_start_0:
0x88: {  	s2 =	sld [smem:$0x3FD9]  }
0x89: {  	s3 =	sld [smem:$0x3FFE];
	_ =	sdelay $0x1  }
0x8a: {  	s1 =	srdreg.scid  }
0x8b: {  	s0 =	sand.u32 $0x1, s1  }
0x8c: {  	s17 =	sshll.u32 s0, $0xA;
	s2 =	sadd.s32 s3, s2  }
0x8d: {  	s2 =	sadd.s32 s2, s17  }
0x8e: {  	[smem:$0x3FC6] =	sst s2  }
0x8f: {  	_ = 	snop  }
0x90: {  	s2 =	sld [smem:$0x3FC8]  }
0x91: {  	s18 =	sld [smem:$0x3FD0];
	(tm) =	ssettm $0x1  }
0x92: {  	s4 =	sld [smem:$0x3FFB];
	_ =	sdelay $0x3  }
0x93: {  	_ =	strace s4  }
0x94: {  	s4 =	sld [smem:$0x3FFC];
	_ =	sdelay $0x3  }
0x95: {  	_ =	strace s4  }
0x96: {  	s4 =	sld [smem:$0x3FFD];
	_ =	sdelay $0x3  }
0x97: {  	_ =	strace s4  }
0x98: {  	_ =	strace $0x8FFFFFFF  }
0x99: {  	s19 =	sld [smem:$0x3FDB];
	_ =	sdelay $0x1  }
0x9a: {  	s5 =	simm.s32 $_scs_section_size  }
0x9b: {  	s6 =	simm.s32 $_size__tile_overlayer_lowered;
	s7 =	simm.s32 $_tile_overlayer_lowered  }
0x9c: {  	s22 =	simm.s32 $0x1BFF;
	s21 =	sshll.u32 s7, $0x1;
	s4 =	sadd.s32 s5, s19  }
0x9d: {  	s8 =	simm.s32 $0x0;
	s20 =	sshll.u32 s6, $0x1;
	s6 =	sadd.s32 s21, s4  }
0x9e: {  	[timem:s8], [sflag:s22] =	dma.local [hbm:s6], s20  }
0x9f: {  	_ =	swait.ge [sflag:s22], s20  }
0xa0: {  	s5 =	ssub.s32 $0x0, s20;
	[sflag:s22] =	ssyncset.done $0x0  }
0xa1: {  	[sflag:s22] =	ssyncadd.s32 s5;
	_ =	sdelay $0x1  }
0xa2: {  	s23 =	simm.s32 $0x1B8B  }
0xa3: {  	_ =	swait.ge [sflag:s23], $0x1  }
0xa4: {  	[sflag:s23] =	ssyncset.done $0x0  }
0xa5: {  	s25 =	simm.s32 $0x1B8E;
	s24 =	sld [smem:$0x3FFE];
	[sflag:s23] =	ssyncadd.s32 $0xFFFFFFFF  }
0xa6: {  	s26 =	simm.s32 $execute0_lowered;
	[smem:$0x3FD2] =	sst s25  }
0xa7: {  	s6 =	sshll.u32 s26, $0x1;
	_ =	strace $0x80000046;
	[dreg:$0x1] =	wrdreg $0xFFFFFFFF  }
0xa8: {  	s28 =	simm.s32 $_size_execute0_lowered;
	s4 =	sadd.s32 s4, s6;
	[dreg:$0x0] =	wrdreg $0x0  }
0xa9: {  	s6 =	sshll.u32 s28, $0x1;
	[dreg:$0x2] =	wrdreg s4  }
0xaa: {  	[dreg:$0x3] =	wrdreg s6  }
0xab: {  	[dreg:$0x4] =	wrdreg $0xC0  }
0xac: {  	_ =	task [dreg:s8], $0x5FFFF  }
0xad: {  	[dreg:$0x1] =	wrdreg $0xFFFFFFFF  }
0xae: {  	[dreg:$0x0] =	wrdreg $0x60  }
0xaf: {  	[dreg:$0x2] =	wrdreg s2  }
0xb0: {  	[dreg:$0x3] =	wrdreg s24  }
0xb1: {  	[dreg:$0x4] =	wrdreg s18  }
0xb2: {  	[dreg:$0x5] =	wrdreg $0x9  }
0xb3: {  	_ =	task.clear_ibuf [dreg:s8], $0x6FFFF;
	_ =	strace $0x90000046  }
0xb4: {  	s29 =	simm.s32 $0x9;
	_ =	strace $0x80000048  }
0xb5: {  	_ =	swait.ge [sflag:s29], $0x1  }
0xb6: {  	[sflag:s29] =	ssyncadd.s32 $0xFFFFFFFF  }
0xb7: {  	_ =	strace $0x90000048  }
0xb8: {  	_ =	sfence  }
0xb9: {  	s30 =	sld [smem:$0x0];
	_ =	sdelay $0x2  }
0xba: {  	s31 =	sshll.u32 s1, $0xD;
	s1 =	sshrl.u32 s1, $0x2  }
0xbb: {  	s3 =	sand.u32 $0x4000, s31;
	s1 =	sadd.s32 s1, s30  }
0xbc: {  	s0 =	sor.u32 s3, s0;
	s1 =	sshll.u32 s1, $0x11  }
0xbd: {  	s0 =	sor.u32 s1, s0  }
0xbe: {  	s0 =	sadd.s32 $0x8F2B, s0  }
0xbf: {  	[sflag:s0] =	ssyncadd.remote.s32 $0x1  }
0xc0: {  	_ =	sfence.sel $0xFFFF  }
0xc1: {  	[dreg:$0x0] =	wrdreg $0xFFFFFFFF;
	(pc) =	sbr.abs _section_cstart, $3  }
0xc2: {  	[dreg:$0x1] =	wrdreg $0xFFFFFFFF  }
0xc3: {  	_ =	task.clear_ibuf [dreg:s8], $0x2FFFF;
	_ =	strace $0x9FFFFFFF  }
0xc4: {  	(tm) =	ssettm $0x7FFFFFFF  }
0xc5: {  	_ =	shalt  }
tec
execute0_lowered:
.L_overlay_start_1:
0x0: {  	(tag) =	ssettag $0x1  }
0x1: {  	s1 =	rddreg [dreg:$0x0]  }
0x2: {  	s2 =	rddreg [dreg:$0x1]  }
0x3: {  	s0 =	srdreg.scid;
	s4 =	rddreg [dreg:$0x2];
	s3 =	simm.s32 $0x0  }
0x4: {  	s13 =	stileid.u32;
	[smem:$0x7FF] =	sst s3;
	s15 =	sadd.s32 $0x100, s1  }
0x5: {  	s16 =	sadd.s32 $0x200, s1;
	_ =	strace $0x80000047;
	[dreg:$0xf] =	wrdreg s15  }
0x6: {  	s0 =	sand.u32 $0x1, s0;
	s17 =	sadd.s32 $0x300, s1;
	[dreg:$0x10] =	wrdreg s16  }
0x7: {  	s5 =	sshll.u32 s13, $0xB;
	s19 =	sadd.s32 $0x400, s1;
	[dreg:$0x11] =	wrdreg s17  }
0x8: {  	s20 =	sadd.s32 $0x500, s1;
	s21 =	sadd.s32 $0x600, s1;
	[dreg:$0x12] =	wrdreg s19  }
0x9: {  	s1 =	sadd.s32 $0x700, s1;
	s6 =	sshll.u32 s0, $0xA;
	[dreg:$0x13] =	wrdreg s20  }
0xa: {  	s12 =	ssub.s32 $0x2, s0;
	[dreg:$0x14] =	wrdreg s21;
	s8 =	sor.u32 s6, s5  }
0xb: {  	[dreg:$0x15] =	wrdreg s1;
	s14 =	sshrl.u32 s12, $0x1;
	s18 =	sshll.u32 s8, $0x8  }
0xc: {  	s5 =	sshrl.u32 s8, $0x3;
	s10 =	ssub.s32 s12, s14;
	s14 =	sadd.s32 s4, s18  }
0xd: {  	s2 =	sadd.s32 s5, s2;
	s31 =	smax.u32 s10, $0x1;
	[dreg:$0x6] =	wrdreg s14  }
0xe: {  	s2 =	sadd.s32 $0x400, s2;
	[dreg:$0xe] =	wrdreg s31  }
0xf: {  	s22 =	sadd.s32 $0x800, s14;
	[dreg:$0x5] =	wrdreg s2  }
0x10: {  	s23 =	sadd.s32 $0x1000, s14;
	[dreg:$0x7] =	wrdreg s22  }
0x11: {  	s24 =	sadd.s32 $0x1800, s14;
	[dreg:$0x8] =	wrdreg s23  }
0x12: {  	s26 =	sadd.s32 $0x3E000, s14;
	[dreg:$0x9] =	wrdreg s24  }
0x13: {  	s25 =	sshll.u32 s13, $0x13;
	s28 =	sadd.s32 $0x3E800, s14;
	[dreg:$0xa] =	wrdreg s26  }
0x14: {  	s0 =	sshll.u32 s0, $0x12;
	s29 =	sadd.s32 $0x3F000, s14;
	[dreg:$0xb] =	wrdreg s28  }
0x15: {  	v0 =	vlaneseq.u32;
	s30 =	sadd.s32 $0x3F800, s14;
	s2 =	sadd.s32 s25, s4;
	[dreg:$0xc] =	wrdreg s29  }
0x16: {  	v1 =	vshrl.u32 v0, $0x3;
	[dreg:$0xd] =	wrdreg s30;
	s25 =	simm.s32 $0x200;
	s0 =	sadd.s32 s0, s2  }
0x17: {  	vm0 =	vmmov $0xffff;
	v0 =	vand.u32 $0x7, v0;
	v1 =	vmul.u32 $0x8, v1;
	s26 =	simm.s32 $0x2000;
	[dreg:$0x4] =	wrdreg s0;
	s0 =	simm.s32 $0x0  }
.LBB2_1:
0x18: {  	[dreg:$0x16] =	wrdreg s0  }
0x19: {  	s18 =	rddreg [dreg:$0x5];
	s17 =	simm.s32 $0x9  }
0x1a: {  	[tilespmem:s3], [sflag:$0x9] =	stream.linear.gather [hbm4b:s18+s3], $0x400, $0x38;
	[tilespmem:$0x10400] =	vst v63  }
0x1b: {  	_ =	swait.ge [sflag:s17], $0x400  }
0x1c: {  	[sflag:s17] =	ssyncset.done $0x0  }
0x1d: {  	[sflag:s17] =	ssyncadd.s32 $0xFFFFFC00  }
0x1e: {  	v2 =	vld.msk [tilespmem:$0x0], $0xff;
	_ =	sdelay $0x4  }
0x1f: {  	v3 =	vshll.u32 v2, $0x4  }
0x20: {  	v2 =	vand.u32 $0x7, v2;
	v3 =	vand.u32 $0xFFFFFF80, v3  }
0x21: {  	v2 =	vor.u32 v2, v3  }
0x22: {  	v2 =	vperm.xlane v2, v0;
	_ =	sdelay $0x1  }
0x23: {  	v2 =	vadd.s32 v1, v2;
	_ =	sdelay $0x3  }
0x24: {  	s22 =	simm.s32 $0x400;
	s1 =	rddreg [dreg:$0x0]  }
0x25: {  	[tilespmem:s22], [sflag:$0x1] =	stream.indirect_vreg.gather [hbm4b:s1+s3], $0x80, v2, vm0, $0xb8;
	[tilespmem:$0x10400] =	vst v63  }
0x26: {  	s23 =	simm.s32 $0xC00;
	s5 =	rddreg [dreg:$0xf]  }
0x27: {  	[tilespmem:s23], [sflag:$0x1] =	stream.indirect_vreg.gather [hbm4b:s5+s3], $0x80, v2, vm0, $0xb8;
	[tilespmem:$0x10400] =	vst v63  }
0x28: {  	s28 =	simm.s32 $0x1400;
	s6 =	rddreg [dreg:$0x10]  }
0x29: {  	[tilespmem:s28], [sflag:$0x1] =	stream.indirect_vreg.gather [hbm4b:s6+s3], $0x80, v2, vm0, $0xb8;
	[tilespmem:$0x10400] =	vst v63  }
0x2a: {  	s29 =	simm.s32 $0x1C00;
	s7 =	rddreg [dreg:$0x11]  }
0x2b: {  	[tilespmem:s29], [sflag:$0x1] =	stream.indirect_vreg.gather [hbm4b:s7+s3], $0x80, v2, vm0, $0xb8;
	[tilespmem:$0x10400] =	vst v63  }
0x2c: {  	s14 =	simm.s32 $0x2400;
	s8 =	rddreg [dreg:$0x12]  }
0x2d: {  	[tilespmem:s14], [sflag:$0x1] =	stream.indirect_vreg.gather [hbm4b:s8+s3], $0x80, v2, vm0, $0xb8;
	[tilespmem:$0x10400] =	vst v63  }
0x2e: {  	s0 =	simm.s32 $0x2C00;
	s9 =	rddreg [dreg:$0x13]  }
0x2f: {  	[tilespmem:s0], [sflag:$0x1] =	stream.indirect_vreg.gather [hbm4b:s9+s3], $0x80, v2, vm0, $0xb8;
	[tilespmem:$0x10400] =	vst v63  }
0x30: {  	s16 =	simm.s32 $0x3400;
	s11 =	rddreg [dreg:$0x14]  }
0x31: {  	[tilespmem:s16], [sflag:$0x1] =	stream.indirect_vreg.gather [hbm4b:s11+s3], $0x80, v2, vm0, $0xb8;
	[tilespmem:$0x10400] =	vst v63  }
0x32: {  	s20 =	simm.s32 $0x3C00;
	s12 =	rddreg [dreg:$0x15]  }
0x33: {  	[tilespmem:s20], [sflag:$0x1] =	stream.indirect_vreg.gather [hbm4b:s12+s3], $0x80, v2, vm0, $0xb8;
	[tilespmem:$0x10400] =	vst v63  }
0x34: {  	v2 =	vld.msk [tilespmem:$0x8], $0xff;
	_ =	sdelay $0x4  }
0x35: {  	v3 =	vshll.u32 v2, $0x4  }
0x36: {  	v2 =	vand.u32 $0x7, v2;
	v3 =	vand.u32 $0xFFFFFF80, v3  }
0x37: {  	v2 =	vor.u32 v2, v3  }
0x38: {  	v2 =	vperm.xlane v2, v0;
	_ =	sdelay $0x1  }
0x39: {  	v2 =	vadd.s32 v1, v2;
	_ =	sdelay $0x3  }
0x3a: {  	s2 =	simm.s32 $0x4400  }
0x3b: {  	[tilespmem:s2], [sflag:$0x2] =	stream.indirect_vreg.gather [hbm4b:s1+s3], $0x80, v2, vm0, $0xb8;
	[tilespmem:$0x10400] =	vst v63  }
0x3c: {  	s19 =	simm.s32 $0x4C00  }
0x3d: {  	[tilespmem:s19], [sflag:$0x2] =	stream.indirect_vreg.gather [hbm4b:s5+s3], $0x80, v2, vm0, $0xb8;
	[tilespmem:$0x10400] =	vst v63  }
0x3e: {  	s10 =	simm.s32 $0x5400  }
0x3f: {  	[tilespmem:s10], [sflag:$0x2] =	stream.indirect_vreg.gather [hbm4b:s6+s3], $0x80, v2, vm0, $0xb8;
	[tilespmem:$0x10400] =	vst v63  }
0x40: {  	s21 =	simm.s32 $0x5C00  }
0x41: {  	[tilespmem:s21], [sflag:$0x2] =	stream.indirect_vreg.gather [hbm4b:s7+s3], $0x80, v2, vm0, $0xb8;
	[tilespmem:$0x10400] =	vst v63  }
0x42: {  	s24 =	simm.s32 $0x6400  }
0x43: {  	[tilespmem:s24], [sflag:$0x2] =	stream.indirect_vreg.gather [hbm4b:s8+s3], $0x80, v2, vm0, $0xb8;
	[tilespmem:$0x10400] =	vst v63  }
0x44: {  	s30 =	simm.s32 $0x6C00  }
0x45: {  	[tilespmem:s30], [sflag:$0x2] =	stream.indirect_vreg.gather [hbm4b:s9+s3], $0x80, v2, vm0, $0xb8;
	[tilespmem:$0x10400] =	vst v63  }
0x46: {  	s31 =	simm.s32 $0x7400  }
0x47: {  	[tilespmem:s31], [sflag:$0x2] =	stream.indirect_vreg.gather [hbm4b:s11+s3], $0x80, v2, vm0, $0xb8;
	[tilespmem:$0x10400] =	vst v63  }
0x48: {  	s2 =	simm.s32 $0x7C00  }
0x49: {  	[tilespmem:s2], [sflag:$0x2] =	stream.indirect_vreg.gather [hbm4b:s12+s3], $0x80, v2, vm0, $0xb8;
	[tilespmem:$0x10400] =	vst v63  }
0x4a: {  	v2 =	vld.msk [tilespmem:$0x10], $0xff;
	_ =	sdelay $0x4  }
0x4b: {  	v3 =	vshll.u32 v2, $0x4  }
0x4c: {  	v2 =	vand.u32 $0x7, v2;
	v3 =	vand.u32 $0xFFFFFF80, v3  }
0x4d: {  	v2 =	vor.u32 v2, v3  }
0x4e: {  	v2 =	vperm.xlane v2, v0;
	_ =	sdelay $0x1  }
0x4f: {  	v2 =	vadd.s32 v1, v2;
	_ =	sdelay $0x3  }
0x50: {  	s30 =	simm.s32 $0x8400  }
0x51: {  	[tilespmem:s30], [sflag:$0x3] =	stream.indirect_vreg.gather [hbm4b:s1+s3], $0x80, v2, vm0, $0xb8;
	[tilespmem:$0x10400] =	vst v63  }
0x52: {  	s31 =	simm.s32 $0x8C00  }
0x53: {  	[tilespmem:s31], [sflag:$0x3] =	stream.indirect_vreg.gather [hbm4b:s5+s3], $0x80, v2, vm0, $0xb8;
	[tilespmem:$0x10400] =	vst v63  }
0x54: {  	s21 =	simm.s32 $0x9400  }
0x55: {  	[tilespmem:s21], [sflag:$0x3] =	stream.indirect_vreg.gather [hbm4b:s6+s3], $0x80, v2, vm0, $0xb8;
	[tilespmem:$0x10400] =	vst v63  }
0x56: {  	s13 =	simm.s32 $0x9C00  }
0x57: {  	[tilespmem:s13], [sflag:$0x3] =	stream.indirect_vreg.gather [hbm4b:s7+s3], $0x80, v2, vm0, $0xb8;
	[tilespmem:$0x10400] =	vst v63  }
0x58: {  	s17 =	simm.s32 $0xA400  }
0x59: {  	[tilespmem:s17], [sflag:$0x3] =	stream.indirect_vreg.gather [hbm4b:s8+s3], $0x80, v2, vm0, $0xb8;
	[tilespmem:$0x10400] =	vst v63  }
0x5a: {  	s18 =	simm.s32 $0xAC00  }
0x5b: {  	[tilespmem:s18], [sflag:$0x3] =	stream.indirect_vreg.gather [hbm4b:s9+s3], $0x80, v2, vm0, $0xb8;
	[tilespmem:$0x10400] =	vst v63  }
0x5c: {  	s19 =	simm.s32 $0xB400  }
0x5d: {  	[tilespmem:s19], [sflag:$0x3] =	stream.indirect_vreg.gather [hbm4b:s11+s3], $0x80, v2, vm0, $0xb8;
	[tilespmem:$0x10400] =	vst v63  }
0x5e: {  	s24 =	simm.s32 $0xBC00;
	s2 =	simm.s32 $0x1  }
0x5f: {  	[tilespmem:s24], [sflag:$0x3] =	stream.indirect_vreg.gather [hbm4b:s12+s3], $0x80, v2, vm0, $0xb8;
	[tilespmem:$0x10400] =	vst v63  }
0x60: {  	_ =	swait.ge [sflag:s2], $0x4000  }
0x61: {  	[sflag:s2] =	ssyncset.done $0x0  }
0x62: {  	s19 =	rddreg [dreg:$0x6];
	[sflag:s2] =	ssyncadd.s32 $0xFFFFC000  }
0x63: {  	[hbm4b:s19+s25] =	stream.strided.scatter [tilespmem:s22], [sflag:$0x5], $0x400, s26, s25, $0x38;
	[tilespmem:$0x10400] =	vst v63  }
0x64: {  	s13 =	simm.s32 $0x800;
	s10 =	sadd.s32 $0x40, s19  }
0x65: {  	[hbm4b:s10+s25] =	stream.strided.scatter [tilespmem:s13], [sflag:$0x5], $0x400, s26, s25, $0x38;
	[tilespmem:$0x10400] =	vst v63  }
0x66: {  	s17 =	sadd.s32 $0x80, s19  }
0x67: {  	[hbm4b:s17+s25] =	stream.strided.scatter [tilespmem:s23], [sflag:$0x5], $0x400, s26, s25, $0x38;
	[tilespmem:$0x10400] =	vst v63  }
0x68: {  	s24 =	sadd.s32 $0xC0, s19;
	s2 =	simm.s32 $0x1000  }
0x69: {  	[hbm4b:s24+s25] =	stream.strided.scatter [tilespmem:s2], [sflag:$0x5], $0x400, s26, s25, $0x38;
	[tilespmem:$0x10400] =	vst v63  }
0x6a: {  	s10 =	sadd.s32 $0x100, s19  }
0x6b: {  	[hbm4b:s10+s25] =	stream.strided.scatter [tilespmem:s28], [sflag:$0x5], $0x400, s26, s25, $0x38;
	[tilespmem:$0x10400] =	vst v63  }
0x6c: {  	s13 =	sadd.s32 $0x140, s19;
	s17 =	simm.s32 $0x1800  }
0x6d: {  	[hbm4b:s13+s25] =	stream.strided.scatter [tilespmem:s17], [sflag:$0x5], $0x400, s26, s25, $0x38;
	[tilespmem:$0x10400] =	vst v63  }
0x6e: {  	s24 =	sadd.s32 $0x180, s19  }
0x6f: {  	[hbm4b:s24+s25] =	stream.strided.scatter [tilespmem:s29], [sflag:$0x5], $0x400, s26, s25, $0x38;
	[tilespmem:$0x10400] =	vst v63  }
0x70: {  	s2 =	sadd.s32 $0x1C0, s19  }
0x71: {  	[hbm4b:s2+s25] =	stream.strided.scatter [tilespmem:s26], [sflag:$0x5], $0x400, s26, s25, $0x38;
	[tilespmem:$0x10400] =	vst v63  }
0x72: {  	s10 =	sadd.s32 $0x200, s19  }
0x73: {  	[hbm4b:s10+s25] =	stream.strided.scatter [tilespmem:s14], [sflag:$0x5], $0x400, s26, s25, $0x38;
	[tilespmem:$0x10400] =	vst v63  }
0x74: {  	s13 =	sadd.s32 $0x240, s19;
	s17 =	simm.s32 $0x2800  }
0x75: {  	[hbm4b:s13+s25] =	stream.strided.scatter [tilespmem:s17], [sflag:$0x5], $0x400, s26, s25, $0x38;
	[tilespmem:$0x10400] =	vst v63  }
0x76: {  	s24 =	sadd.s32 $0x280, s19  }
0x77: {  	[hbm4b:s24+s25] =	stream.strided.scatter [tilespmem:s0], [sflag:$0x5], $0x400, s26, s25, $0x38;
	[tilespmem:$0x10400] =	vst v63  }
0x78: {  	s2 =	sadd.s32 $0x2C0, s19;
	s10 =	simm.s32 $0x3000  }
0x79: {  	[hbm4b:s2+s25] =	stream.strided.scatter [tilespmem:s10], [sflag:$0x5], $0x400, s26, s25, $0x38;
	[tilespmem:$0x10400] =	vst v63  }
0x7a: {  	s17 =	sadd.s32 $0x300, s19  }
0x7b: {  	[hbm4b:s17+s25] =	stream.strided.scatter [tilespmem:s16], [sflag:$0x5], $0x400, s26, s25, $0x38;
	[tilespmem:$0x10400] =	vst v63  }
0x7c: {  	s24 =	sadd.s32 $0x340, s19;
	s2 =	simm.s32 $0x3800  }
0x7d: {  	[hbm4b:s24+s25] =	stream.strided.scatter [tilespmem:s2], [sflag:$0x5], $0x400, s26, s25, $0x38;
	[tilespmem:$0x10400] =	vst v63  }
0x7e: {  	s10 =	sadd.s32 $0x380, s19  }
0x7f: {  	[hbm4b:s10+s25] =	stream.strided.scatter [tilespmem:s20], [sflag:$0x5], $0x400, s26, s25, $0x38;
	[tilespmem:$0x10400] =	vst v63  }
0x80: {  	s13 =	sadd.s32 $0x3C0, s19;
	s17 =	simm.s32 $0x4000  }
0x81: {  	[hbm4b:s13+s25] =	stream.strided.scatter [tilespmem:s17], [sflag:$0x5], $0x400, s26, s25, $0x38;
	[tilespmem:$0x10400] =	vst v63  }
0x82: {  	v2 =	vld.msk [tilespmem:$0x18], $0xff;
	_ =	sdelay $0x4  }
0x83: {  	v3 =	vshll.u32 v2, $0x4  }
0x84: {  	v2 =	vand.u32 $0x7, v2;
	v3 =	vand.u32 $0xFFFFFF80, v3  }
0x85: {  	v2 =	vor.u32 v2, v3  }
0x86: {  	v2 =	vperm.xlane v2, v0;
	_ =	sdelay $0x1  }
0x87: {  	v2 =	vadd.s32 v1, v2;
	_ =	sdelay $0x3  }
0x88: {  	s17 =	simm.s32 $0xC400  }
0x89: {  	[tilespmem:s17], [sflag:$0x4] =	stream.indirect_vreg.gather [hbm4b:s1+s3], $0x80, v2, vm0, $0xb8;
	[tilespmem:$0x10400] =	vst v63  }
0x8a: {  	s24 =	simm.s32 $0xCC00  }
0x8b: {  	[tilespmem:s24], [sflag:$0x4] =	stream.indirect_vreg.gather [hbm4b:s5+s3], $0x80, v2, vm0, $0xb8;
	[tilespmem:$0x10400] =	vst v63  }
0x8c: {  	s18 =	simm.s32 $0xD400  }
0x8d: {  	[tilespmem:s18], [sflag:$0x4] =	stream.indirect_vreg.gather [hbm4b:s6+s3], $0x80, v2, vm0, $0xb8;
	[tilespmem:$0x10400] =	vst v63  }
0x8e: {  	s19 =	simm.s32 $0xDC00  }
0x8f: {  	[tilespmem:s19], [sflag:$0x4] =	stream.indirect_vreg.gather [hbm4b:s7+s3], $0x80, v2, vm0, $0xb8;
	[tilespmem:$0x10400] =	vst v63  }
0x90: {  	s10 =	simm.s32 $0xE400  }
0x91: {  	[tilespmem:s10], [sflag:$0x4] =	stream.indirect_vreg.gather [hbm4b:s8+s3], $0x80, v2, vm0, $0xb8;
	[tilespmem:$0x10400] =	vst v63  }
0x92: {  	s13 =	simm.s32 $0xEC00  }
0x93: {  	[tilespmem:s13], [sflag:$0x4] =	stream.indirect_vreg.gather [hbm4b:s9+s3], $0x80, v2, vm0, $0xb8;
	[tilespmem:$0x10400] =	vst v63  }
0x94: {  	s18 =	simm.s32 $0xF400  }
0x95: {  	[tilespmem:s18], [sflag:$0x4] =	stream.indirect_vreg.gather [hbm4b:s11+s3], $0x80, v2, vm0, $0xb8;
	[tilespmem:$0x10400] =	vst v63  }
0x96: {  	s2 =	simm.s32 $0x2;
	s19 =	simm.s32 $0xFC00  }
0x97: {  	[tilespmem:s19], [sflag:$0x4] =	stream.indirect_vreg.gather [hbm4b:s12+s3], $0x80, v2, vm0, $0xb8;
	[tilespmem:$0x10400] =	vst v63  }
0x98: {  	_ =	swait.ge [sflag:s2], $0x4000  }
0x99: {  	[sflag:s2] =	ssyncset.done $0x0  }
0x9a: {  	s15 =	simm.s32 $0x4400;
	s19 =	rddreg [dreg:$0x7];
	[sflag:s2] =	ssyncadd.s32 $0xFFFFC000  }
0x9b: {  	[hbm4b:s19+s25] =	stream.strided.scatter [tilespmem:s15], [sflag:$0x6], $0x400, s26, s25, $0x38;
	[tilespmem:$0x10400] =	vst v63  }
0x9c: {  	s13 =	simm.s32 $0x4800;
	s10 =	sadd.s32 $0x40, s19  }
0x9d: {  	[hbm4b:s10+s25] =	stream.strided.scatter [tilespmem:s13], [sflag:$0x6], $0x400, s26, s25, $0x38;
	[tilespmem:$0x10400] =	vst v63  }
0x9e: {  	s4 =	simm.s32 $0x4C00;
	s2 =	sadd.s32 $0x80, s19  }
0x9f: {  	[hbm4b:s2+s25] =	stream.strided.scatter [tilespmem:s4], [sflag:$0x6], $0x400, s26, s25, $0x38;
	[tilespmem:$0x10400] =	vst v63  }
0xa0: {  	s10 =	sadd.s32 $0xC0, s19;
	s13 =	simm.s32 $0x5000  }
0xa1: {  	[hbm4b:s10+s25] =	stream.strided.scatter [tilespmem:s13], [sflag:$0x6], $0x400, s26, s25, $0x38;
	[tilespmem:$0x10400] =	vst v63  }
0xa2: {  	s2 =	sadd.s32 $0x100, s19;
	s4 =	simm.s32 $0x5400  }
0xa3: {  	[hbm4b:s2+s25] =	stream.strided.scatter [tilespmem:s4], [sflag:$0x6], $0x400, s26, s25, $0x38;
	[tilespmem:$0x10400] =	vst v63  }
0xa4: {  	s10 =	sadd.s32 $0x140, s19;
	s13 =	simm.s32 $0x5800  }
0xa5: {  	[hbm4b:s10+s25] =	stream.strided.scatter [tilespmem:s13], [sflag:$0x6], $0x400, s26, s25, $0x38;
	[tilespmem:$0x10400] =	vst v63  }
0xa6: {  	s2 =	sadd.s32 $0x180, s19;
	s4 =	simm.s32 $0x5C00  }
0xa7: {  	[hbm4b:s2+s25] =	stream.strided.scatter [tilespmem:s4], [sflag:$0x6], $0x400, s26, s25, $0x38;
	[tilespmem:$0x10400] =	vst v63  }
0xa8: {  	s10 =	sadd.s32 $0x1C0, s19;
	s13 =	simm.s32 $0x6000  }
0xa9: {  	[hbm4b:s10+s25] =	stream.strided.scatter [tilespmem:s13], [sflag:$0x6], $0x400, s26, s25, $0x38;
	[tilespmem:$0x10400] =	vst v63  }
0xaa: {  	s2 =	sadd.s32 $0x200, s19;
	s13 =	simm.s32 $0x6400  }
0xab: {  	[hbm4b:s2+s25] =	stream.strided.scatter [tilespmem:s13], [sflag:$0x6], $0x400, s26, s25, $0x38;
	[tilespmem:$0x10400] =	vst v63  }
0xac: {  	s4 =	sadd.s32 $0x240, s19;
	s10 =	simm.s32 $0x6800  }
0xad: {  	[hbm4b:s4+s25] =	stream.strided.scatter [tilespmem:s10], [sflag:$0x6], $0x400, s26, s25, $0x38;
	[tilespmem:$0x10400] =	vst v63  }
0xae: {  	s15 =	sadd.s32 $0x280, s19;
	s10 =	simm.s32 $0x6C00  }
0xaf: {  	[hbm4b:s15+s25] =	stream.strided.scatter [tilespmem:s10], [sflag:$0x6], $0x400, s26, s25, $0x38;
	[tilespmem:$0x10400] =	vst v63  }
0xb0: {  	s2 =	sadd.s32 $0x2C0, s19;
	s4 =	simm.s32 $0x7000  }
0xb1: {  	[hbm4b:s2+s25] =	stream.strided.scatter [tilespmem:s4], [sflag:$0x6], $0x400, s26, s25, $0x38;
	[tilespmem:$0x10400] =	vst v63  }
0xb2: {  	s2 =	sadd.s32 $0x300, s19;
	s4 =	simm.s32 $0x7400  }
0xb3: {  	[hbm4b:s2+s25] =	stream.strided.scatter [tilespmem:s4], [sflag:$0x6], $0x400, s26, s25, $0x38;
	[tilespmem:$0x10400] =	vst v63  }
0xb4: {  	s15 =	sadd.s32 $0x340, s19;
	s2 =	simm.s32 $0x7800  }
0xb5: {  	[hbm4b:s15+s25] =	stream.strided.scatter [tilespmem:s2], [sflag:$0x6], $0x400, s26, s25, $0x38;
	[tilespmem:$0x10400] =	vst v63  }
0xb6: {  	s15 =	sadd.s32 $0x380, s19;
	s2 =	simm.s32 $0x7C00  }
0xb7: {  	[hbm4b:s15+s25] =	stream.strided.scatter [tilespmem:s2], [sflag:$0x6], $0x400, s26, s25, $0x38;
	[tilespmem:$0x10400] =	vst v63  }
0xb8: {  	s15 =	sadd.s32 $0x3C0, s19;
	s19 =	simm.s32 $0x8000  }
0xb9: {  	[hbm4b:s15+s25] =	stream.strided.scatter [tilespmem:s19], [sflag:$0x6], $0x400, s26, s25, $0x38;
	[tilespmem:$0x10400] =	vst v63  }
0xba: {  	s19 =	simm.s32 $0x5  }
0xbb: {  	_ =	swait.ge [sflag:s19], $0x4000  }
0xbc: {  	[sflag:s19] =	ssyncset.done $0x0  }
0xbd: {  	[sflag:s19] =	ssyncadd.s32 $0xFFFFC000  }
0xbe: {  	v2 =	vld.msk [tilespmem:$0x20], $0xff;
	_ =	sdelay $0x4  }
0xbf: {  	v3 =	vshll.u32 v2, $0x4  }
0xc0: {  	v2 =	vand.u32 $0x7, v2;
	v3 =	vand.u32 $0xFFFFFF80, v3  }
0xc1: {  	v2 =	vor.u32 v2, v3  }
0xc2: {  	v2 =	vperm.xlane v2, v0;
	_ =	sdelay $0x1  }
0xc3: {  	v2 =	vadd.s32 v1, v2;
	_ =	sdelay $0x4  }
0xc4: {  	[tilespmem:s22], [sflag:$0x1] =	stream.indirect_vreg.gather [hbm4b:s1+s3], $0x80, v2, vm0, $0xb8;
	[tilespmem:$0x10400] =	vst v63  }
0xc5: {  	_ = 	snop  }
0xc6: {  	[tilespmem:s23], [sflag:$0x1] =	stream.indirect_vreg.gather [hbm4b:s5+s3], $0x80, v2, vm0, $0xb8;
	[tilespmem:$0x10400] =	vst v63  }
0xc7: {  	_ = 	snop  }
0xc8: {  	[tilespmem:s28], [sflag:$0x1] =	stream.indirect_vreg.gather [hbm4b:s6+s3], $0x80, v2, vm0, $0xb8;
	[tilespmem:$0x10400] =	vst v63  }
0xc9: {  	_ = 	snop  }
0xca: {  	[tilespmem:s29], [sflag:$0x1] =	stream.indirect_vreg.gather [hbm4b:s7+s3], $0x80, v2, vm0, $0xb8;
	[tilespmem:$0x10400] =	vst v63  }
0xcb: {  	_ = 	snop  }
0xcc: {  	[tilespmem:s14], [sflag:$0x1] =	stream.indirect_vreg.gather [hbm4b:s8+s3], $0x80, v2, vm0, $0xb8;
	[tilespmem:$0x10400] =	vst v63  }
0xcd: {  	_ = 	snop  }
0xce: {  	[tilespmem:s0], [sflag:$0x1] =	stream.indirect_vreg.gather [hbm4b:s9+s3], $0x80, v2, vm0, $0xb8;
	[tilespmem:$0x10400] =	vst v63  }
0xcf: {  	_ = 	snop  }
0xd0: {  	[tilespmem:s16], [sflag:$0x1] =	stream.indirect_vreg.gather [hbm4b:s11+s3], $0x80, v2, vm0, $0xb8;
	[tilespmem:$0x10400] =	vst v63  }
0xd1: {  	s28 =	simm.s32 $0x3  }
0xd2: {  	[tilespmem:s20], [sflag:$0x1] =	stream.indirect_vreg.gather [hbm4b:s12+s3], $0x80, v2, vm0, $0xb8;
	[tilespmem:$0x10400] =	vst v63  }
0xd3: {  	_ =	swait.ge [sflag:s28], $0x4000  }
0xd4: {  	[sflag:s28] =	ssyncset.done $0x0  }
0xd5: {  	s19 =	rddreg [dreg:$0x8];
	[sflag:s28] =	ssyncadd.s32 $0xFFFFC000  }
0xd6: {  	[hbm4b:s19+s25] =	stream.strided.scatter [tilespmem:s30], [sflag:$0x7], $0x400, s26, s25, $0x38;
	[tilespmem:$0x10400] =	vst v63  }
0xd7: {  	s29 =	sadd.s32 $0x40, s19;
	s30 =	simm.s32 $0x8800  }
0xd8: {  	[hbm4b:s29+s25] =	stream.strided.scatter [tilespmem:s30], [sflag:$0x7], $0x400, s26, s25, $0x38;
	[tilespmem:$0x10400] =	vst v63  }
0xd9: {  	s14 =	sadd.s32 $0x80, s19  }
0xda: {  	[hbm4b:s14+s25] =	stream.strided.scatter [tilespmem:s31], [sflag:$0x7], $0x400, s26, s25, $0x38;
	[tilespmem:$0x10400] =	vst v63  }
0xdb: {  	s16 =	simm.s32 $0x9000;
	s15 =	sadd.s32 $0xC0, s19  }
0xdc: {  	[hbm4b:s15+s25] =	stream.strided.scatter [tilespmem:s16], [sflag:$0x7], $0x400, s26, s25, $0x38;
	[tilespmem:$0x10400] =	vst v63  }
0xdd: {  	s20 =	sadd.s32 $0x100, s19  }
0xde: {  	[hbm4b:s20+s25] =	stream.strided.scatter [tilespmem:s21], [sflag:$0x7], $0x400, s26, s25, $0x38;
	[tilespmem:$0x10400] =	vst v63  }
0xdf: {  	s23 =	simm.s32 $0x9800;
	s22 =	sadd.s32 $0x140, s19  }
0xe0: {  	[hbm4b:s22+s25] =	stream.strided.scatter [tilespmem:s23], [sflag:$0x7], $0x400, s26, s25, $0x38;
	[tilespmem:$0x10400] =	vst v63  }
0xe1: {  	s28 =	sadd.s32 $0x180, s19;
	s29 =	simm.s32 $0x9C00  }
0xe2: {  	[hbm4b:s28+s25] =	stream.strided.scatter [tilespmem:s29], [sflag:$0x7], $0x400, s26, s25, $0x38;
	[tilespmem:$0x10400] =	vst v63  }
0xe3: {  	s30 =	sadd.s32 $0x1C0, s19;
	s31 =	simm.s32 $0xA000  }
0xe4: {  	[hbm4b:s30+s25] =	stream.strided.scatter [tilespmem:s31], [sflag:$0x7], $0x400, s26, s25, $0x38;
	[tilespmem:$0x10400] =	vst v63  }
0xe5: {  	s0 =	sadd.s32 $0x200, s19;
	s14 =	simm.s32 $0xA400  }
0xe6: {  	[hbm4b:s0+s25] =	stream.strided.scatter [tilespmem:s14], [sflag:$0x7], $0x400, s26, s25, $0x38;
	[tilespmem:$0x10400] =	vst v63  }
0xe7: {  	s15 =	sadd.s32 $0x240, s19;
	s16 =	simm.s32 $0xA800  }
0xe8: {  	[hbm4b:s15+s25] =	stream.strided.scatter [tilespmem:s16], [sflag:$0x7], $0x400, s26, s25, $0x38;
	[tilespmem:$0x10400] =	vst v63  }
0xe9: {  	s20 =	sadd.s32 $0x280, s19;
	s21 =	simm.s32 $0xAC00  }
0xea: {  	[hbm4b:s20+s25] =	stream.strided.scatter [tilespmem:s21], [sflag:$0x7], $0x400, s26, s25, $0x38;
	[tilespmem:$0x10400] =	vst v63  }
0xeb: {  	s22 =	sadd.s32 $0x2C0, s19;
	s23 =	simm.s32 $0xB000  }
0xec: {  	[hbm4b:s22+s25] =	stream.strided.scatter [tilespmem:s23], [sflag:$0x7], $0x400, s26, s25, $0x38;
	[tilespmem:$0x10400] =	vst v63  }
0xed: {  	s28 =	sadd.s32 $0x300, s19;
	s29 =	simm.s32 $0xB400  }
0xee: {  	[hbm4b:s28+s25] =	stream.strided.scatter [tilespmem:s29], [sflag:$0x7], $0x400, s26, s25, $0x38;
	[tilespmem:$0x10400] =	vst v63  }
0xef: {  	s30 =	sadd.s32 $0x340, s19;
	s31 =	simm.s32 $0xB800  }
0xf0: {  	[hbm4b:s30+s25] =	stream.strided.scatter [tilespmem:s31], [sflag:$0x7], $0x400, s26, s25, $0x38;
	[tilespmem:$0x10400] =	vst v63  }
0xf1: {  	s0 =	sadd.s32 $0x380, s19;
	s14 =	simm.s32 $0xBC00  }
0xf2: {  	[hbm4b:s0+s25] =	stream.strided.scatter [tilespmem:s14], [sflag:$0x7], $0x400, s26, s25, $0x38;
	[tilespmem:$0x10400] =	vst v63  }
0xf3: {  	s15 =	sadd.s32 $0x3C0, s19;
	s16 =	simm.s32 $0xC000;
	s19 =	simm.s32 $0x6  }
0xf4: {  	[hbm4b:s15+s25] =	stream.strided.scatter [tilespmem:s16], [sflag:$0x7], $0x400, s26, s25, $0x38;
	[tilespmem:$0x10400] =	vst v63  }
0xf5: {  	_ =	swait.ge [sflag:s19], $0x4000  }
0xf6: {  	[sflag:s19] =	ssyncset.done $0x0  }
0xf7: {  	[sflag:s19] =	ssyncadd.s32 $0xFFFFC000  }
0xf8: {  	v2 =	vld.msk [tilespmem:$0x28], $0xff;
	_ =	sdelay $0x4  }
0xf9: {  	v3 =	vshll.u32 v2, $0x4  }
0xfa: {  	v2 =	vand.u32 $0x7, v2;
	v3 =	vand.u32 $0xFFFFFF80, v3  }
0xfb: {  	v2 =	vor.u32 v2, v3  }
0xfc: {  	v2 =	vperm.xlane v2, v0;
	_ =	sdelay $0x1  }
0xfd: {  	v2 =	vadd.s32 v1, v2;
	_ =	sdelay $0x3  }
0xfe: {  	s20 =	simm.s32 $0x4400  }
0xff: {  	[tilespmem:s20], [sflag:$0x2] =	stream.indirect_vreg.gather [hbm4b:s1+s3], $0x80, v2, vm0, $0xb8;
	[tilespmem:$0x10400] =	vst v63  }
0x100: {  	s21 =	simm.s32 $0x4C00  }
0x101: {  	[tilespmem:s21], [sflag:$0x2] =	stream.indirect_vreg.gather [hbm4b:s5+s3], $0x80, v2, vm0, $0xb8;
	[tilespmem:$0x10400] =	vst v63  }
0x102: {  	s22 =	simm.s32 $0x5400  }
0x103: {  	[tilespmem:s22], [sflag:$0x2] =	stream.indirect_vreg.gather [hbm4b:s6+s3], $0x80, v2, vm0, $0xb8;
	[tilespmem:$0x10400] =	vst v63  }
0x104: {  	s23 =	simm.s32 $0x5C00  }
0x105: {  	[tilespmem:s23], [sflag:$0x2] =	stream.indirect_vreg.gather [hbm4b:s7+s3], $0x80, v2, vm0, $0xb8;
	[tilespmem:$0x10400] =	vst v63  }
0x106: {  	_ = 	snop  }
0x107: {  	[tilespmem:s13], [sflag:$0x2] =	stream.indirect_vreg.gather [hbm4b:s8+s3], $0x80, v2, vm0, $0xb8;
	[tilespmem:$0x10400] =	vst v63  }
0x108: {  	_ = 	snop  }
0x109: {  	[tilespmem:s10], [sflag:$0x2] =	stream.indirect_vreg.gather [hbm4b:s9+s3], $0x80, v2, vm0, $0xb8;
	[tilespmem:$0x10400] =	vst v63  }
0x10a: {  	_ = 	snop  }
0x10b: {  	[tilespmem:s4], [sflag:$0x2] =	stream.indirect_vreg.gather [hbm4b:s11+s3], $0x80, v2, vm0, $0xb8;
	[tilespmem:$0x10400] =	vst v63  }
0x10c: {  	s28 =	simm.s32 $0x4  }
0x10d: {  	[tilespmem:s2], [sflag:$0x2] =	stream.indirect_vreg.gather [hbm4b:s12+s3], $0x80, v2, vm0, $0xb8;
	[tilespmem:$0x10400] =	vst v63  }
0x10e: {  	_ =	swait.ge [sflag:s28], $0x4000  }
0x10f: {  	[sflag:s28] =	ssyncset.done $0x0  }
0x110: {  	s19 =	rddreg [dreg:$0x9];
	[sflag:s28] =	ssyncadd.s32 $0xFFFFC000  }
0x111: {  	[hbm4b:s19+s25] =	stream.strided.scatter [tilespmem:s17], [sflag:$0x8], $0x400, s26, s25, $0x38;
	[tilespmem:$0x10400] =	vst v63  }
0x112: {  	s30 =	simm.s32 $0xC800;
	s29 =	sadd.s32 $0x40, s19  }
0x113: {  	[hbm4b:s29+s25] =	stream.strided.scatter [tilespmem:s30], [sflag:$0x8], $0x400, s26, s25, $0x38;
	[tilespmem:$0x10400] =	vst v63  }
0x114: {  	s31 =	sadd.s32 $0x80, s19  }
0x115: {  	[hbm4b:s31+s25] =	stream.strided.scatter [tilespmem:s24], [sflag:$0x8], $0x400, s26, s25, $0x38;
	[tilespmem:$0x10400] =	vst v63  }
0x116: {  	s1 =	simm.s32 $0xD000;
	s0 =	sadd.s32 $0xC0, s19  }
0x117: {  	[hbm4b:s0+s25] =	stream.strided.scatter [tilespmem:s1], [sflag:$0x8], $0x400, s26, s25, $0x38;
	[tilespmem:$0x10400] =	vst v63  }
0x118: {  	s4 =	simm.s32 $0xD400;
	s2 =	sadd.s32 $0x100, s19  }
0x119: {  	[hbm4b:s2+s25] =	stream.strided.scatter [tilespmem:s4], [sflag:$0x8], $0x400, s26, s25, $0x38;
	[tilespmem:$0x10400] =	vst v63  }
0x11a: {  	s6 =	simm.s32 $0xD800;
	s5 =	sadd.s32 $0x140, s19  }
0x11b: {  	[hbm4b:s5+s25] =	stream.strided.scatter [tilespmem:s6], [sflag:$0x8], $0x400, s26, s25, $0x38;
	[tilespmem:$0x10400] =	vst v63  }
0x11c: {  	s8 =	simm.s32 $0xDC00;
	s7 =	sadd.s32 $0x180, s19  }
0x11d: {  	[hbm4b:s7+s25] =	stream.strided.scatter [tilespmem:s8], [sflag:$0x8], $0x400, s26, s25, $0x38;
	[tilespmem:$0x10400] =	vst v63  }
0x11e: {  	s10 =	simm.s32 $0xE000;
	s9 =	sadd.s32 $0x1C0, s19  }
0x11f: {  	[hbm4b:s9+s25] =	stream.strided.scatter [tilespmem:s10], [sflag:$0x8], $0x400, s26, s25, $0x38;
	[tilespmem:$0x10400] =	vst v63  }
0x120: {  	s12 =	simm.s32 $0xE400;
	s11 =	sadd.s32 $0x200, s19  }
0x121: {  	[hbm4b:s11+s25] =	stream.strided.scatter [tilespmem:s12], [sflag:$0x8], $0x400, s26, s25, $0x38;
	[tilespmem:$0x10400] =	vst v63  }
0x122: {  	s14 =	simm.s32 $0xE800;
	s13 =	sadd.s32 $0x240, s19  }
0x123: {  	[hbm4b:s13+s25] =	stream.strided.scatter [tilespmem:s14], [sflag:$0x8], $0x400, s26, s25, $0x38;
	[tilespmem:$0x10400] =	vst v63  }
0x124: {  	s16 =	simm.s32 $0xEC00;
	s15 =	sadd.s32 $0x280, s19  }
0x125: {  	[hbm4b:s15+s25] =	stream.strided.scatter [tilespmem:s16], [sflag:$0x8], $0x400, s26, s25, $0x38;
	[tilespmem:$0x10400] =	vst v63  }
0x126: {  	s20 =	simm.s32 $0xF000;
	s17 =	sadd.s32 $0x2C0, s19  }
0x127: {  	[hbm4b:s17+s25] =	stream.strided.scatter [tilespmem:s20], [sflag:$0x8], $0x400, s26, s25, $0x38;
	[tilespmem:$0x10400] =	vst v63  }
0x128: {  	s22 =	simm.s32 $0xF400;
	s21 =	sadd.s32 $0x300, s19  }
0x129: {  	[hbm4b:s21+s25] =	stream.strided.scatter [tilespmem:s22], [sflag:$0x8], $0x400, s26, s25, $0x38;
	[tilespmem:$0x10400] =	vst v63  }
0x12a: {  	s23 =	sadd.s32 $0x340, s19;
	s24 =	simm.s32 $0xF800  }
0x12b: {  	[hbm4b:s23+s25] =	stream.strided.scatter [tilespmem:s24], [sflag:$0x8], $0x400, s26, s25, $0x38;
	[tilespmem:$0x10400] =	vst v63  }
0x12c: {  	s18 =	simm.s32 $0x48;
	s28 =	sadd.s32 $0x380, s19;
	s29 =	simm.s32 $0xFC00  }
0x12d: {  	[hbm4b:s28+s25] =	stream.strided.scatter [tilespmem:s29], [sflag:$0x8], $0x400, s26, s25, $0x38;
	[tilespmem:$0x10400] =	vst v63  }
0x12e: {  	s30 =	sadd.s32 $0x3C0, s19;
	s19 =	simm.s32 $0x0;
	s31 =	simm.s32 $0x10000  }
0x12f: {  	[hbm4b:s30+s25] =	stream.strided.scatter [tilespmem:s31], [sflag:$0x8], $0x400, s26, s25, $0x38;
	[tilespmem:$0x10400] =	vst v63  }
.LBB2_2:
0x130: {  	s0 =	simm.s32 $0x7  }
0x131: {  	_ =	swait.ge [sflag:s0], $0x4000  }
0x132: {  	[sflag:s0] =	ssyncset.done $0x0  }
0x133: {  	[sflag:s0] =	ssyncadd.s32 $0xFFFFC000  }
0x134: {  	v2 =	vld.msk [tilespmem:s18+$0xFFFFFFE8], $0xff;
	_ =	sdelay $0x4  }
0x135: {  	v3 =	vshll.u32 v2, $0x4  }
0x136: {  	v2 =	vand.u32 $0x7, v2;
	v3 =	vand.u32 $0xFFFFFF80, v3  }
0x137: {  	v2 =	vor.u32 v2, v3  }
0x138: {  	v2 =	vperm.xlane v2, v0;
	_ =	sdelay $0x1  }
0x139: {  	v2 =	vadd.s32 v1, v2;
	_ =	sdelay $0x3  }
0x13a: {  	s10 =	simm.s32 $0x8400;
	s5 =	rddreg [dreg:$0x0]  }
0x13b: {  	[tilespmem:s10], [sflag:$0x3] =	stream.indirect_vreg.gather [hbm4b:s5+s3], $0x80, v2, vm0, $0xb8;
	[tilespmem:$0x10400] =	vst v63  }
0x13c: {  	s11 =	simm.s32 $0x8C00;
	s6 =	rddreg [dreg:$0xf]  }
0x13d: {  	[tilespmem:s11], [sflag:$0x3] =	stream.indirect_vreg.gather [hbm4b:s6+s3], $0x80, v2, vm0, $0xb8;
	[tilespmem:$0x10400] =	vst v63  }
0x13e: {  	s12 =	simm.s32 $0x9400;
	s7 =	rddreg [dreg:$0x10]  }
0x13f: {  	[tilespmem:s12], [sflag:$0x3] =	stream.indirect_vreg.gather [hbm4b:s7+s3], $0x80, v2, vm0, $0xb8;
	[tilespmem:$0x10400] =	vst v63  }
0x140: {  	s13 =	simm.s32 $0x9C00;
	s8 =	rddreg [dreg:$0x11]  }
0x141: {  	[tilespmem:s13], [sflag:$0x3] =	stream.indirect_vreg.gather [hbm4b:s8+s3], $0x80, v2, vm0, $0xb8;
	[tilespmem:$0x10400] =	vst v63  }
0x142: {  	s14 =	simm.s32 $0xA400;
	s9 =	rddreg [dreg:$0x12]  }
0x143: {  	[tilespmem:s14], [sflag:$0x3] =	stream.indirect_vreg.gather [hbm4b:s9+s3], $0x80, v2, vm0, $0xb8;
	[tilespmem:$0x10400] =	vst v63  }
0x144: {  	s15 =	simm.s32 $0xAC00;
	s11 =	rddreg [dreg:$0x13]  }
0x145: {  	[tilespmem:s15], [sflag:$0x3] =	stream.indirect_vreg.gather [hbm4b:s11+s3], $0x80, v2, vm0, $0xb8;
	[tilespmem:$0x10400] =	vst v63  }
0x146: {  	s16 =	simm.s32 $0xB400;
	s12 =	rddreg [dreg:$0x14]  }
0x147: {  	[tilespmem:s16], [sflag:$0x3] =	stream.indirect_vreg.gather [hbm4b:s12+s3], $0x80, v2, vm0, $0xb8;
	[tilespmem:$0x10400] =	vst v63  }
0x148: {  	s17 =	simm.s32 $0xBC00;
	s20 =	simm.s32 $0x1;
	s28 =	rddreg [dreg:$0x15]  }
0x149: {  	[tilespmem:s17], [sflag:$0x3] =	stream.indirect_vreg.gather [hbm4b:s28+s3], $0x80, v2, vm0, $0xb8;
	[tilespmem:$0x10400] =	vst v63  }
0x14a: {  	_ =	swait.ge [sflag:s20], $0x4000  }
0x14b: {  	s22 =	rddreg [dreg:$0x4]  }
0x14c: {  	[sflag:s20] =	ssyncset.done $0x0;
	s22 =	sadd.s32 s19, s22  }
0x14d: {  	s29 =	simm.s32 $0x400;
	[sflag:s20] =	ssyncadd.s32 $0xFFFFC000;
	s23 =	sadd.s32 $0x2000, s22  }
0x14e: {  	[hbm4b:s23+s25] =	stream.strided.scatter [tilespmem:s29], [sflag:$0x5], $0x400, s26, s25, $0x38;
	[tilespmem:$0x10400] =	vst v63  }
0x14f: {  	s24 =	simm.s32 $0x800;
	s21 =	sadd.s32 $0x2040, s22  }
0x150: {  	[hbm4b:s21+s25] =	stream.strided.scatter [tilespmem:s24], [sflag:$0x5], $0x400, s26, s25, $0x38;
	[tilespmem:$0x10400] =	vst v63  }
0x151: {  	s30 =	simm.s32 $0xC00;
	s0 =	sadd.s32 $0x2080, s22  }
0x152: {  	[hbm4b:s0+s25] =	stream.strided.scatter [tilespmem:s30], [sflag:$0x5], $0x400, s26, s25, $0x38;
	[tilespmem:$0x10400] =	vst v63  }
0x153: {  	s2 =	simm.s32 $0x1000;
	s1 =	sadd.s32 $0x20C0, s22  }
0x154: {  	[hbm4b:s1+s25] =	stream.strided.scatter [tilespmem:s2], [sflag:$0x5], $0x400, s26, s25, $0x38;
	[tilespmem:$0x10400] =	vst v63  }
0x155: {  	s31 =	simm.s32 $0x1400;
	s4 =	sadd.s32 $0x2100, s22  }
0x156: {  	[hbm4b:s4+s25] =	stream.strided.scatter [tilespmem:s31], [sflag:$0x5], $0x400, s26, s25, $0x38;
	[tilespmem:$0x10400] =	vst v63  }
0x157: {  	s13 =	simm.s32 $0x1800;
	s10 =	sadd.s32 $0x2140, s22  }
0x158: {  	[hbm4b:s10+s25] =	stream.strided.scatter [tilespmem:s13], [sflag:$0x5], $0x400, s26, s25, $0x38;
	[tilespmem:$0x10400] =	vst v63  }
0x159: {  	s14 =	sadd.s32 $0x2180, s22;
	s2 =	simm.s32 $0x1C00  }
0x15a: {  	[hbm4b:s14+s25] =	stream.strided.scatter [tilespmem:s2], [sflag:$0x5], $0x400, s26, s25, $0x38;
	[tilespmem:$0x10400] =	vst v63  }
0x15b: {  	s15 =	sadd.s32 $0x21C0, s22  }
0x15c: {  	[hbm4b:s15+s25] =	stream.strided.scatter [tilespmem:s26], [sflag:$0x5], $0x400, s26, s25, $0x38;
	[tilespmem:$0x10400] =	vst v63  }
0x15d: {  	s16 =	sadd.s32 $0x2200, s22;
	s0 =	simm.s32 $0x2400  }
0x15e: {  	[hbm4b:s16+s25] =	stream.strided.scatter [tilespmem:s0], [sflag:$0x5], $0x400, s26, s25, $0x38;
	[tilespmem:$0x10400] =	vst v63  }
0x15f: {  	s17 =	sadd.s32 $0x2240, s22;
	s1 =	simm.s32 $0x2800  }
0x160: {  	[hbm4b:s17+s25] =	stream.strided.scatter [tilespmem:s1], [sflag:$0x5], $0x400, s26, s25, $0x38;
	[tilespmem:$0x10400] =	vst v63  }
0x161: {  	s20 =	sadd.s32 $0x2280, s22;
	s4 =	simm.s32 $0x2C00  }
0x162: {  	[hbm4b:s20+s25] =	stream.strided.scatter [tilespmem:s4], [sflag:$0x5], $0x400, s26, s25, $0x38;
	[tilespmem:$0x10400] =	vst v63  }
0x163: {  	s21 =	sadd.s32 $0x22C0, s22;
	s24 =	simm.s32 $0x3000  }
0x164: {  	[hbm4b:s21+s25] =	stream.strided.scatter [tilespmem:s24], [sflag:$0x5], $0x400, s26, s25, $0x38;
	[tilespmem:$0x10400] =	vst v63  }
0x165: {  	s10 =	sadd.s32 $0x2300, s22;
	s20 =	simm.s32 $0x3400  }
0x166: {  	[hbm4b:s10+s25] =	stream.strided.scatter [tilespmem:s20], [sflag:$0x5], $0x400, s26, s25, $0x38;
	[tilespmem:$0x10400] =	vst v63  }
0x167: {  	s13 =	sadd.s32 $0x2340, s22;
	s14 =	simm.s32 $0x3800  }
0x168: {  	[hbm4b:s13+s25] =	stream.strided.scatter [tilespmem:s14], [sflag:$0x5], $0x400, s26, s25, $0x38;
	[tilespmem:$0x10400] =	vst v63  }
0x169: {  	s15 =	sadd.s32 $0x2380, s22;
	s24 =	simm.s32 $0x3C00  }
0x16a: {  	[hbm4b:s15+s25] =	stream.strided.scatter [tilespmem:s24], [sflag:$0x5], $0x400, s26, s25, $0x38;
	[tilespmem:$0x10400] =	vst v63  }
0x16b: {  	s16 =	sadd.s32 $0x23C0, s22;
	s17 =	simm.s32 $0x4000;
	s21 =	simm.s32 $0x8  }
0x16c: {  	[hbm4b:s16+s25] =	stream.strided.scatter [tilespmem:s17], [sflag:$0x5], $0x400, s26, s25, $0x38;
	[tilespmem:$0x10400] =	vst v63  }
0x16d: {  	_ =	swait.ge [sflag:s21], $0x4000  }
0x16e: {  	[sflag:s21] =	ssyncset.done $0x0  }
0x16f: {  	[sflag:s21] =	ssyncadd.s32 $0xFFFFC000  }
0x170: {  	v2 =	vld.msk [tilespmem:s18+$0xFFFFFFF0], $0xff;
	_ =	sdelay $0x4  }
0x171: {  	v3 =	vshll.u32 v2, $0x4  }
0x172: {  	v2 =	vand.u32 $0x7, v2;
	v3 =	vand.u32 $0xFFFFFF80, v3  }
0x173: {  	v2 =	vor.u32 v2, v3  }
0x174: {  	v2 =	vperm.xlane v2, v0;
	_ =	sdelay $0x1  }
0x175: {  	v2 =	vadd.s32 v1, v2;
	_ =	sdelay $0x3  }
0x176: {  	s23 =	simm.s32 $0xC400  }
0x177: {  	[tilespmem:s23], [sflag:$0x4] =	stream.indirect_vreg.gather [hbm4b:s5+s3], $0x80, v2, vm0, $0xb8;
	[tilespmem:$0x10400] =	vst v63  }
0x178: {  	s10 =	simm.s32 $0xCC00  }
0x179: {  	[tilespmem:s10], [sflag:$0x4] =	stream.indirect_vreg.gather [hbm4b:s6+s3], $0x80, v2, vm0, $0xb8;
	[tilespmem:$0x10400] =	vst v63  }
0x17a: {  	s13 =	simm.s32 $0xD400  }
0x17b: {  	[tilespmem:s13], [sflag:$0x4] =	stream.indirect_vreg.gather [hbm4b:s7+s3], $0x80, v2, vm0, $0xb8;
	[tilespmem:$0x10400] =	vst v63  }
0x17c: {  	s14 =	simm.s32 $0xDC00  }
0x17d: {  	[tilespmem:s14], [sflag:$0x4] =	stream.indirect_vreg.gather [hbm4b:s8+s3], $0x80, v2, vm0, $0xb8;
	[tilespmem:$0x10400] =	vst v63  }
0x17e: {  	s15 =	simm.s32 $0xE400  }
0x17f: {  	[tilespmem:s15], [sflag:$0x4] =	stream.indirect_vreg.gather [hbm4b:s9+s3], $0x80, v2, vm0, $0xb8;
	[tilespmem:$0x10400] =	vst v63  }
0x180: {  	s16 =	simm.s32 $0xEC00  }
0x181: {  	[tilespmem:s16], [sflag:$0x4] =	stream.indirect_vreg.gather [hbm4b:s11+s3], $0x80, v2, vm0, $0xb8;
	[tilespmem:$0x10400] =	vst v63  }
0x182: {  	s17 =	simm.s32 $0xF400  }
0x183: {  	[tilespmem:s17], [sflag:$0x4] =	stream.indirect_vreg.gather [hbm4b:s12+s3], $0x80, v2, vm0, $0xb8;
	[tilespmem:$0x10400] =	vst v63  }
0x184: {  	s21 =	simm.s32 $0xFC00;
	s23 =	simm.s32 $0x2  }
0x185: {  	[tilespmem:s21], [sflag:$0x4] =	stream.indirect_vreg.gather [hbm4b:s28+s3], $0x80, v2, vm0, $0xb8;
	[tilespmem:$0x10400] =	vst v63  }
0x186: {  	_ =	swait.ge [sflag:s23], $0x4000  }
0x187: {  	[sflag:s23] =	ssyncset.done $0x0  }
0x188: {  	s10 =	sadd.s32 $0x2800, s22;
	s13 =	simm.s32 $0x4400;
	[sflag:s23] =	ssyncadd.s32 $0xFFFFC000  }
0x189: {  	[hbm4b:s10+s25] =	stream.strided.scatter [tilespmem:s13], [sflag:$0x6], $0x400, s26, s25, $0x38;
	[tilespmem:$0x10400] =	vst v63  }
0x18a: {  	s14 =	sadd.s32 $0x2840, s22;
	s15 =	simm.s32 $0x4800  }
0x18b: {  	[hbm4b:s14+s25] =	stream.strided.scatter [tilespmem:s15], [sflag:$0x6], $0x400, s26, s25, $0x38;
	[tilespmem:$0x10400] =	vst v63  }
0x18c: {  	s16 =	sadd.s32 $0x2880, s22;
	s13 =	simm.s32 $0x4C00  }
0x18d: {  	[hbm4b:s16+s25] =	stream.strided.scatter [tilespmem:s13], [sflag:$0x6], $0x400, s26, s25, $0x38;
	[tilespmem:$0x10400] =	vst v63  }
0x18e: {  	s17 =	sadd.s32 $0x28C0, s22;
	s21 =	simm.s32 $0x5000  }
0x18f: {  	[hbm4b:s17+s25] =	stream.strided.scatter [tilespmem:s21], [sflag:$0x6], $0x400, s26, s25, $0x38;
	[tilespmem:$0x10400] =	vst v63  }
0x190: {  	s1 =	sadd.s32 $0x2900, s22;
	s14 =	simm.s32 $0x5400  }
0x191: {  	[hbm4b:s1+s25] =	stream.strided.scatter [tilespmem:s14], [sflag:$0x6], $0x400, s26, s25, $0x38;
	[tilespmem:$0x10400] =	vst v63  }
0x192: {  	s10 =	sadd.s32 $0x2940, s22;
	s15 =	simm.s32 $0x5800  }
0x193: {  	[hbm4b:s10+s25] =	stream.strided.scatter [tilespmem:s15], [sflag:$0x6], $0x400, s26, s25, $0x38;
	[tilespmem:$0x10400] =	vst v63  }
0x194: {  	s16 =	sadd.s32 $0x2980, s22;
	s15 =	simm.s32 $0x5C00  }
0x195: {  	[hbm4b:s16+s25] =	stream.strided.scatter [tilespmem:s15], [sflag:$0x6], $0x400, s26, s25, $0x38;
	[tilespmem:$0x10400] =	vst v63  }
0x196: {  	s17 =	sadd.s32 $0x29C0, s22;
	s21 =	simm.s32 $0x6000  }
0x197: {  	[hbm4b:s17+s25] =	stream.strided.scatter [tilespmem:s21], [sflag:$0x6], $0x400, s26, s25, $0x38;
	[tilespmem:$0x10400] =	vst v63  }
0x198: {  	s1 =	sadd.s32 $0x2A00, s22;
	s16 =	simm.s32 $0x6400  }
0x199: {  	[hbm4b:s1+s25] =	stream.strided.scatter [tilespmem:s16], [sflag:$0x6], $0x400, s26, s25, $0x38;
	[tilespmem:$0x10400] =	vst v63  }
0x19a: {  	s10 =	sadd.s32 $0x2A40, s22;
	s17 =	simm.s32 $0x6800  }
0x19b: {  	[hbm4b:s10+s25] =	stream.strided.scatter [tilespmem:s17], [sflag:$0x6], $0x400, s26, s25, $0x38;
	[tilespmem:$0x10400] =	vst v63  }
0x19c: {  	s21 =	sadd.s32 $0x2A80, s22;
	s17 =	simm.s32 $0x6C00  }
0x19d: {  	[hbm4b:s21+s25] =	stream.strided.scatter [tilespmem:s17], [sflag:$0x6], $0x400, s26, s25, $0x38;
	[tilespmem:$0x10400] =	vst v63  }
0x19e: {  	s1 =	sadd.s32 $0x2AC0, s22;
	s10 =	simm.s32 $0x7000  }
0x19f: {  	[hbm4b:s1+s25] =	stream.strided.scatter [tilespmem:s10], [sflag:$0x6], $0x400, s26, s25, $0x38;
	[tilespmem:$0x10400] =	vst v63  }
0x1a0: {  	s21 =	sadd.s32 $0x2B00, s22;
	s10 =	simm.s32 $0x7400  }
0x1a1: {  	[hbm4b:s21+s25] =	stream.strided.scatter [tilespmem:s10], [sflag:$0x6], $0x400, s26, s25, $0x38;
	[tilespmem:$0x10400] =	vst v63  }
0x1a2: {  	s1 =	sadd.s32 $0x2B40, s22;
	s21 =	simm.s32 $0x7800  }
0x1a3: {  	[hbm4b:s1+s25] =	stream.strided.scatter [tilespmem:s21], [sflag:$0x6], $0x400, s26, s25, $0x38;
	[tilespmem:$0x10400] =	vst v63  }
0x1a4: {  	s21 =	sadd.s32 $0x2B80, s22;
	s1 =	simm.s32 $0x7C00  }
0x1a5: {  	[hbm4b:s21+s25] =	stream.strided.scatter [tilespmem:s1], [sflag:$0x6], $0x400, s26, s25, $0x38;
	[tilespmem:$0x10400] =	vst v63  }
0x1a6: {  	s23 =	sadd.s32 $0x2BC0, s22;
	s21 =	simm.s32 $0x8000  }
0x1a7: {  	[hbm4b:s23+s25] =	stream.strided.scatter [tilespmem:s21], [sflag:$0x6], $0x400, s26, s25, $0x38;
	[tilespmem:$0x10400] =	vst v63  }
0x1a8: {  	s23 =	simm.s32 $0x5  }
0x1a9: {  	_ =	swait.ge [sflag:s23], $0x4000  }
0x1aa: {  	[sflag:s23] =	ssyncset.done $0x0  }
0x1ab: {  	[sflag:s23] =	ssyncadd.s32 $0xFFFFC000  }
0x1ac: {  	v2 =	vld.msk [tilespmem:s18+$0xFFFFFFF8], $0xff;
	_ =	sdelay $0x4  }
0x1ad: {  	v3 =	vshll.u32 v2, $0x4  }
0x1ae: {  	v2 =	vand.u32 $0x7, v2;
	v3 =	vand.u32 $0xFFFFFF80, v3  }
0x1af: {  	v2 =	vor.u32 v2, v3  }
0x1b0: {  	v2 =	vperm.xlane v2, v0;
	_ =	sdelay $0x1  }
0x1b1: {  	v2 =	vadd.s32 v1, v2;
	_ =	sdelay $0x4  }
0x1b2: {  	[tilespmem:s29], [sflag:$0x1] =	stream.indirect_vreg.gather [hbm4b:s5+s3], $0x80, v2, vm0, $0xb8;
	[tilespmem:$0x10400] =	vst v63  }
0x1b3: {  	_ = 	snop  }
0x1b4: {  	[tilespmem:s30], [sflag:$0x1] =	stream.indirect_vreg.gather [hbm4b:s6+s3], $0x80, v2, vm0, $0xb8;
	[tilespmem:$0x10400] =	vst v63  }
0x1b5: {  	_ = 	snop  }
0x1b6: {  	[tilespmem:s31], [sflag:$0x1] =	stream.indirect_vreg.gather [hbm4b:s7+s3], $0x80, v2, vm0, $0xb8;
	[tilespmem:$0x10400] =	vst v63  }
0x1b7: {  	_ = 	snop  }
0x1b8: {  	[tilespmem:s2], [sflag:$0x1] =	stream.indirect_vreg.gather [hbm4b:s8+s3], $0x80, v2, vm0, $0xb8;
	[tilespmem:$0x10400] =	vst v63  }
0x1b9: {  	_ = 	snop  }
0x1ba: {  	[tilespmem:s0], [sflag:$0x1] =	stream.indirect_vreg.gather [hbm4b:s9+s3], $0x80, v2, vm0, $0xb8;
	[tilespmem:$0x10400] =	vst v63  }
0x1bb: {  	_ = 	snop  }
0x1bc: {  	[tilespmem:s4], [sflag:$0x1] =	stream.indirect_vreg.gather [hbm4b:s11+s3], $0x80, v2, vm0, $0xb8;
	[tilespmem:$0x10400] =	vst v63  }
0x1bd: {  	_ = 	snop  }
0x1be: {  	[tilespmem:s20], [sflag:$0x1] =	stream.indirect_vreg.gather [hbm4b:s12+s3], $0x80, v2, vm0, $0xb8;
	[tilespmem:$0x10400] =	vst v63  }
0x1bf: {  	_ = 	snop  }
0x1c0: {  	[tilespmem:s24], [sflag:$0x1] =	stream.indirect_vreg.gather [hbm4b:s28+s3], $0x80, v2, vm0, $0xb8;
	[tilespmem:$0x10400] =	vst v63  }
0x1c1: {  	s24 =	simm.s32 $0x3  }
0x1c2: {  	_ =	swait.ge [sflag:s24], $0x4000  }
0x1c3: {  	[sflag:s24] =	ssyncset.done $0x0  }
0x1c4: {  	s21 =	sadd.s32 $0x3000, s22;
	[sflag:s24] =	ssyncadd.s32 $0xFFFFC000;
	s24 =	simm.s32 $0x8400  }
0x1c5: {  	[hbm4b:s21+s25] =	stream.strided.scatter [tilespmem:s24], [sflag:$0x7], $0x400, s26, s25, $0x38;
	[tilespmem:$0x10400] =	vst v63  }
0x1c6: {  	s21 =	sadd.s32 $0x3040, s22;
	s24 =	simm.s32 $0x8800  }
0x1c7: {  	[hbm4b:s21+s25] =	stream.strided.scatter [tilespmem:s24], [sflag:$0x7], $0x400, s26, s25, $0x38;
	[tilespmem:$0x10400] =	vst v63  }
0x1c8: {  	s21 =	sadd.s32 $0x3080, s22;
	s24 =	simm.s32 $0x8C00  }
0x1c9: {  	[hbm4b:s21+s25] =	stream.strided.scatter [tilespmem:s24], [sflag:$0x7], $0x400, s26, s25, $0x38;
	[tilespmem:$0x10400] =	vst v63  }
0x1ca: {  	s21 =	sadd.s32 $0x30C0, s22;
	s24 =	simm.s32 $0x9000  }
0x1cb: {  	[hbm4b:s21+s25] =	stream.strided.scatter [tilespmem:s24], [sflag:$0x7], $0x400, s26, s25, $0x38;
	[tilespmem:$0x10400] =	vst v63  }
0x1cc: {  	s21 =	sadd.s32 $0x3100, s22;
	s24 =	simm.s32 $0x9400  }
0x1cd: {  	[hbm4b:s21+s25] =	stream.strided.scatter [tilespmem:s24], [sflag:$0x7], $0x400, s26, s25, $0x38;
	[tilespmem:$0x10400] =	vst v63  }
0x1ce: {  	s21 =	sadd.s32 $0x3140, s22;
	s24 =	simm.s32 $0x9800  }
0x1cf: {  	[hbm4b:s21+s25] =	stream.strided.scatter [tilespmem:s24], [sflag:$0x7], $0x400, s26, s25, $0x38;
	[tilespmem:$0x10400] =	vst v63  }
0x1d0: {  	s21 =	sadd.s32 $0x3180, s22;
	s24 =	simm.s32 $0x9C00  }
0x1d1: {  	[hbm4b:s21+s25] =	stream.strided.scatter [tilespmem:s24], [sflag:$0x7], $0x400, s26, s25, $0x38;
	[tilespmem:$0x10400] =	vst v63  }
0x1d2: {  	s21 =	sadd.s32 $0x31C0, s22;
	s24 =	simm.s32 $0xA000  }
0x1d3: {  	[hbm4b:s21+s25] =	stream.strided.scatter [tilespmem:s24], [sflag:$0x7], $0x400, s26, s25, $0x38;
	[tilespmem:$0x10400] =	vst v63  }
0x1d4: {  	s21 =	sadd.s32 $0x3200, s22;
	s24 =	simm.s32 $0xA400  }
0x1d5: {  	[hbm4b:s21+s25] =	stream.strided.scatter [tilespmem:s24], [sflag:$0x7], $0x400, s26, s25, $0x38;
	[tilespmem:$0x10400] =	vst v63  }
0x1d6: {  	s21 =	sadd.s32 $0x3240, s22;
	s24 =	simm.s32 $0xA800  }
0x1d7: {  	[hbm4b:s21+s25] =	stream.strided.scatter [tilespmem:s24], [sflag:$0x7], $0x400, s26, s25, $0x38;
	[tilespmem:$0x10400] =	vst v63  }
0x1d8: {  	s21 =	sadd.s32 $0x3280, s22;
	s24 =	simm.s32 $0xAC00  }
0x1d9: {  	[hbm4b:s21+s25] =	stream.strided.scatter [tilespmem:s24], [sflag:$0x7], $0x400, s26, s25, $0x38;
	[tilespmem:$0x10400] =	vst v63  }
0x1da: {  	s21 =	sadd.s32 $0x32C0, s22;
	s24 =	simm.s32 $0xB000  }
0x1db: {  	[hbm4b:s21+s25] =	stream.strided.scatter [tilespmem:s24], [sflag:$0x7], $0x400, s26, s25, $0x38;
	[tilespmem:$0x10400] =	vst v63  }
0x1dc: {  	s21 =	sadd.s32 $0x3300, s22;
	s24 =	simm.s32 $0xB400  }
0x1dd: {  	[hbm4b:s21+s25] =	stream.strided.scatter [tilespmem:s24], [sflag:$0x7], $0x400, s26, s25, $0x38;
	[tilespmem:$0x10400] =	vst v63  }
0x1de: {  	s21 =	sadd.s32 $0x3340, s22;
	s24 =	simm.s32 $0xB800  }
0x1df: {  	[hbm4b:s21+s25] =	stream.strided.scatter [tilespmem:s24], [sflag:$0x7], $0x400, s26, s25, $0x38;
	[tilespmem:$0x10400] =	vst v63  }
0x1e0: {  	s21 =	sadd.s32 $0x3380, s22;
	s24 =	simm.s32 $0xBC00  }
0x1e1: {  	[hbm4b:s21+s25] =	stream.strided.scatter [tilespmem:s24], [sflag:$0x7], $0x400, s26, s25, $0x38;
	[tilespmem:$0x10400] =	vst v63  }
0x1e2: {  	s21 =	sadd.s32 $0x33C0, s22;
	s24 =	simm.s32 $0xC000  }
0x1e3: {  	[hbm4b:s21+s25] =	stream.strided.scatter [tilespmem:s24], [sflag:$0x7], $0x400, s26, s25, $0x38;
	[tilespmem:$0x10400] =	vst v63  }
0x1e4: {  	s24 =	simm.s32 $0x6  }
0x1e5: {  	_ =	swait.ge [sflag:s24], $0x4000  }
0x1e6: {  	[sflag:s24] =	ssyncset.done $0x0  }
0x1e7: {  	[sflag:s24] =	ssyncadd.s32 $0xFFFFC000  }
0x1e8: {  	v2 =	vld.msk [tilespmem:s18+$0x0], $0xff;
	_ =	sdelay $0x4  }
0x1e9: {  	v3 =	vshll.u32 v2, $0x4  }
0x1ea: {  	v2 =	vand.u32 $0x7, v2;
	v3 =	vand.u32 $0xFFFFFF80, v3  }
0x1eb: {  	v2 =	vor.u32 v2, v3  }
0x1ec: {  	v2 =	vperm.xlane v2, v0;
	_ =	sdelay $0x1  }
0x1ed: {  	v2 =	vadd.s32 v1, v2;
	_ =	sdelay $0x3  }
0x1ee: {  	s23 =	simm.s32 $0x4400  }
0x1ef: {  	[tilespmem:s23], [sflag:$0x2] =	stream.indirect_vreg.gather [hbm4b:s5+s3], $0x80, v2, vm0, $0xb8;
	[tilespmem:$0x10400] =	vst v63  }
0x1f0: {  	_ = 	snop  }
0x1f1: {  	[tilespmem:s13], [sflag:$0x2] =	stream.indirect_vreg.gather [hbm4b:s6+s3], $0x80, v2, vm0, $0xb8;
	[tilespmem:$0x10400] =	vst v63  }
0x1f2: {  	_ = 	snop  }
0x1f3: {  	[tilespmem:s14], [sflag:$0x2] =	stream.indirect_vreg.gather [hbm4b:s7+s3], $0x80, v2, vm0, $0xb8;
	[tilespmem:$0x10400] =	vst v63  }
0x1f4: {  	_ = 	snop  }
0x1f5: {  	[tilespmem:s15], [sflag:$0x2] =	stream.indirect_vreg.gather [hbm4b:s8+s3], $0x80, v2, vm0, $0xb8;
	[tilespmem:$0x10400] =	vst v63  }
0x1f6: {  	_ = 	snop  }
0x1f7: {  	[tilespmem:s16], [sflag:$0x2] =	stream.indirect_vreg.gather [hbm4b:s9+s3], $0x80, v2, vm0, $0xb8;
	[tilespmem:$0x10400] =	vst v63  }
0x1f8: {  	_ = 	snop  }
0x1f9: {  	[tilespmem:s17], [sflag:$0x2] =	stream.indirect_vreg.gather [hbm4b:s11+s3], $0x80, v2, vm0, $0xb8;
	[tilespmem:$0x10400] =	vst v63  }
0x1fa: {  	_ = 	snop  }
0x1fb: {  	[tilespmem:s10], [sflag:$0x2] =	stream.indirect_vreg.gather [hbm4b:s12+s3], $0x80, v2, vm0, $0xb8;
	[tilespmem:$0x10400] =	vst v63  }
0x1fc: {  	s6 =	simm.s32 $0x4  }
0x1fd: {  	[tilespmem:s1], [sflag:$0x2] =	stream.indirect_vreg.gather [hbm4b:s28+s3], $0x80, v2, vm0, $0xb8;
	[tilespmem:$0x10400] =	vst v63  }
0x1fe: {  	_ =	swait.ge [sflag:s6], $0x4000  }
0x1ff: {  	p0 =	sne.s32 s19, $0x3A000;
	[sflag:s6] =	ssyncset.done $0x0  }
0x200: {  	s7 =	sadd.s32 $0x3800, s22;
	s8 =	simm.s32 $0xC400;
	[sflag:s6] =	ssyncadd.s32 $0xFFFFC000  }
0x201: {  	[hbm4b:s7+s25] =	stream.strided.scatter [tilespmem:s8], [sflag:$0x8], $0x400, s26, s25, $0x38;
	[tilespmem:$0x10400] =	vst v63  }
0x202: {  	s19 =	sadd.s32 $0x2000, s19;
	s9 =	sadd.s32 $0x3840, s22;
	s11 =	simm.s32 $0xC800  }
0x203: {  	[hbm4b:s9+s25] =	stream.strided.scatter [tilespmem:s11], [sflag:$0x8], $0x400, s26, s25, $0x38;
	[tilespmem:$0x10400] =	vst v63  }
0x204: {  	s29 =	simm.s32 $0xC00;
	s12 =	sadd.s32 $0x3880, s22;
	s28 =	simm.s32 $0xCC00  }
0x205: {  	[hbm4b:s12+s25] =	stream.strided.scatter [tilespmem:s28], [sflag:$0x8], $0x400, s26, s25, $0x38;
	[tilespmem:$0x10400] =	vst v63  }
0x206: {  	s30 =	simm.s32 $0x1400;
	s5 =	sadd.s32 $0x38C0, s22;
	s6 =	simm.s32 $0xD000  }
0x207: {  	[hbm4b:s5+s25] =	stream.strided.scatter [tilespmem:s6], [sflag:$0x8], $0x400, s26, s25, $0x38;
	[tilespmem:$0x10400] =	vst v63  }
0x208: {  	s31 =	simm.s32 $0x1C00;
	s7 =	sadd.s32 $0x3900, s22;
	s8 =	simm.s32 $0xD400  }
0x209: {  	[hbm4b:s7+s25] =	stream.strided.scatter [tilespmem:s8], [sflag:$0x8], $0x400, s26, s25, $0x38;
	[tilespmem:$0x10400] =	vst v63  }
0x20a: {  	s2 =	simm.s32 $0x2400;
	s9 =	sadd.s32 $0x3940, s22;
	s11 =	simm.s32 $0xD800  }
0x20b: {  	[hbm4b:s9+s25] =	stream.strided.scatter [tilespmem:s11], [sflag:$0x8], $0x400, s26, s25, $0x38;
	[tilespmem:$0x10400] =	vst v63  }
0x20c: {  	s0 =	simm.s32 $0x2C00;
	s12 =	sadd.s32 $0x3980, s22;
	s28 =	simm.s32 $0xDC00  }
0x20d: {  	[hbm4b:s12+s25] =	stream.strided.scatter [tilespmem:s28], [sflag:$0x8], $0x400, s26, s25, $0x38;
	[tilespmem:$0x10400] =	vst v63  }
0x20e: {  	s4 =	simm.s32 $0x3400;
	s5 =	sadd.s32 $0x39C0, s22;
	s6 =	simm.s32 $0xE000  }
0x20f: {  	[hbm4b:s5+s25] =	stream.strided.scatter [tilespmem:s6], [sflag:$0x8], $0x400, s26, s25, $0x38;
	[tilespmem:$0x10400] =	vst v63  }
0x210: {  	s20 =	simm.s32 $0x3C00;
	s7 =	sadd.s32 $0x3A00, s22;
	s8 =	simm.s32 $0xE400  }
0x211: {  	[hbm4b:s7+s25] =	stream.strided.scatter [tilespmem:s8], [sflag:$0x8], $0x400, s26, s25, $0x38;
	[tilespmem:$0x10400] =	vst v63  }
0x212: {  	s21 =	simm.s32 $0x4C00;
	s9 =	sadd.s32 $0x3A40, s22;
	s11 =	simm.s32 $0xE800  }
0x213: {  	[hbm4b:s9+s25] =	stream.strided.scatter [tilespmem:s11], [sflag:$0x8], $0x400, s26, s25, $0x38;
	[tilespmem:$0x10400] =	vst v63  }
0x214: {  	s24 =	simm.s32 $0x4400;
	s12 =	sadd.s32 $0x3A80, s22;
	s28 =	simm.s32 $0xEC00  }
0x215: {  	[hbm4b:s12+s25] =	stream.strided.scatter [tilespmem:s28], [sflag:$0x8], $0x400, s26, s25, $0x38;
	[tilespmem:$0x10400] =	vst v63  }
0x216: {  	s18 =	sadd.s32 $0x20, s18;
	s1 =	sadd.s32 $0x3AC0, s22;
	s5 =	simm.s32 $0xF000  }
0x217: {  	[hbm4b:s1+s25] =	stream.strided.scatter [tilespmem:s5], [sflag:$0x8], $0x400, s26, s25, $0x38;
	[tilespmem:$0x10400] =	vst v63  }
0x218: {  	s13 =	simm.s32 $0x5400;
	s6 =	sadd.s32 $0x3B00, s22;
	s7 =	simm.s32 $0xF400  }
0x219: {  	[hbm4b:s6+s25] =	stream.strided.scatter [tilespmem:s7], [sflag:$0x8], $0x400, s26, s25, $0x38;
	[tilespmem:$0x10400] =	vst v63  }
0x21a: {  	s14 =	simm.s32 $0x5C00;
	s8 =	sadd.s32 $0x3B40, s22;
	s9 =	simm.s32 $0xF800  }
0x21b: {  	[hbm4b:s8+s25] =	stream.strided.scatter [tilespmem:s9], [sflag:$0x8], $0x400, s26, s25, $0x38;
	[tilespmem:$0x10400] =	vst v63  }
.Ltmp0:
0x21c: {  	s15 =	simm.s32 $0x6400;
	s16 =	simm.s32 $0x6C00;
	(pc) =	sbr.rel @p0 .LBB2_2-.Ltmp0, $4  }
0x21d: {  	s17 =	simm.s32 $0x7400;
	s11 =	sadd.s32 $0x3B80, s22;
	s12 =	simm.s32 $0xFC00  }
0x21e: {  	[hbm4b:s11+s25] =	stream.strided.scatter [tilespmem:s12], [sflag:$0x8], $0x400, s26, s25, $0x38;
	[tilespmem:$0x10400] =	vst v63  }
0x21f: {  	s10 =	simm.s32 $0x7C00;
	s22 =	sadd.s32 $0x3BC0, s22;
	s28 =	simm.s32 $0x10000  }
0x220: {  	[hbm4b:s22+s25] =	stream.strided.scatter [tilespmem:s28], [sflag:$0x8], $0x400, s26, s25, $0x38;
	[tilespmem:$0x10400] =	vst v63  }
0x221: {  	s23 =	simm.s32 $0x7  }
0x222: {  	_ =	swait.ge [sflag:s23], $0x4000  }
0x223: {  	[sflag:s23] =	ssyncset.done $0x0  }
0x224: {  	[sflag:s23] =	ssyncadd.s32 $0xFFFFC000  }
0x225: {  	v2 =	vld.msk [tilespmem:$0x3F0], $0xff;
	_ =	sdelay $0x4  }
0x226: {  	v3 =	vshll.u32 v2, $0x4  }
0x227: {  	v2 =	vand.u32 $0x7, v2;
	v3 =	vand.u32 $0xFFFFFF80, v3  }
0x228: {  	v2 =	vor.u32 v2, v3  }
0x229: {  	v2 =	vperm.xlane v2, v0;
	_ =	sdelay $0x1  }
0x22a: {  	v2 =	vadd.s32 v1, v2;
	_ =	sdelay $0x3  }
0x22b: {  	s28 =	simm.s32 $0x8400;
	s1 =	rddreg [dreg:$0x0]  }
0x22c: {  	[tilespmem:s28], [sflag:$0x3] =	stream.indirect_vreg.gather [hbm4b:s1+s3], $0x80, v2, vm0, $0xb8;
	[tilespmem:$0x10400] =	vst v63  }
0x22d: {  	s6 =	simm.s32 $0x8C00;
	s5 =	rddreg [dreg:$0xf]  }
0x22e: {  	[tilespmem:s6], [sflag:$0x3] =	stream.indirect_vreg.gather [hbm4b:s5+s3], $0x80, v2, vm0, $0xb8;
	[tilespmem:$0x10400] =	vst v63  }
0x22f: {  	s7 =	simm.s32 $0x9400;
	s6 =	rddreg [dreg:$0x10]  }
0x230: {  	[tilespmem:s7], [sflag:$0x3] =	stream.indirect_vreg.gather [hbm4b:s6+s3], $0x80, v2, vm0, $0xb8;
	[tilespmem:$0x10400] =	vst v63  }
0x231: {  	s8 =	simm.s32 $0x9C00;
	s7 =	rddreg [dreg:$0x11]  }
0x232: {  	[tilespmem:s8], [sflag:$0x3] =	stream.indirect_vreg.gather [hbm4b:s7+s3], $0x80, v2, vm0, $0xb8;
	[tilespmem:$0x10400] =	vst v63  }
0x233: {  	s9 =	simm.s32 $0xA400;
	s8 =	rddreg [dreg:$0x12]  }
0x234: {  	[tilespmem:s9], [sflag:$0x3] =	stream.indirect_vreg.gather [hbm4b:s8+s3], $0x80, v2, vm0, $0xb8;
	[tilespmem:$0x10400] =	vst v63  }
0x235: {  	s11 =	simm.s32 $0xAC00;
	s9 =	rddreg [dreg:$0x13]  }
0x236: {  	[tilespmem:s11], [sflag:$0x3] =	stream.indirect_vreg.gather [hbm4b:s9+s3], $0x80, v2, vm0, $0xb8;
	[tilespmem:$0x10400] =	vst v63  }
0x237: {  	s12 =	simm.s32 $0xB400;
	s11 =	rddreg [dreg:$0x14]  }
0x238: {  	[tilespmem:s12], [sflag:$0x3] =	stream.indirect_vreg.gather [hbm4b:s11+s3], $0x80, v2, vm0, $0xb8;
	[tilespmem:$0x10400] =	vst v63  }
0x239: {  	s18 =	simm.s32 $0xBC00;
	s19 =	simm.s32 $0x1;
	s22 =	rddreg [dreg:$0x15]  }
0x23a: {  	[tilespmem:s18], [sflag:$0x3] =	stream.indirect_vreg.gather [hbm4b:s22+s3], $0x80, v2, vm0, $0xb8;
	[tilespmem:$0x10400] =	vst v63  }
0x23b: {  	_ =	swait.ge [sflag:s19], $0x4000  }
0x23c: {  	[sflag:s19] =	ssyncset.done $0x0  }
0x23d: {  	s18 =	simm.s32 $0x400;
	[sflag:s19] =	ssyncadd.s32 $0xFFFFC000;
	s19 =	rddreg [dreg:$0xa]  }
0x23e: {  	[hbm4b:s19+s25] =	stream.strided.scatter [tilespmem:s18], [sflag:$0x5], $0x400, s26, s25, $0x38;
	[tilespmem:$0x10400] =	vst v63  }
0x23f: {  	s12 =	simm.s32 $0x800;
	s18 =	sadd.s32 $0x40, s19  }
0x240: {  	[hbm4b:s18+s25] =	stream.strided.scatter [tilespmem:s12], [sflag:$0x5], $0x400, s26, s25, $0x38;
	[tilespmem:$0x10400] =	vst v63  }
0x241: {  	s12 =	sadd.s32 $0x80, s19  }
0x242: {  	[hbm4b:s12+s25] =	stream.strided.scatter [tilespmem:s29], [sflag:$0x5], $0x400, s26, s25, $0x38;
	[tilespmem:$0x10400] =	vst v63  }
0x243: {  	s12 =	sadd.s32 $0xC0, s19;
	s29 =	simm.s32 $0x1000  }
0x244: {  	[hbm4b:s12+s25] =	stream.strided.scatter [tilespmem:s29], [sflag:$0x5], $0x400, s26, s25, $0x38;
	[tilespmem:$0x10400] =	vst v63  }
0x245: {  	s29 =	sadd.s32 $0x100, s19  }
0x246: {  	[hbm4b:s29+s25] =	stream.strided.scatter [tilespmem:s30], [sflag:$0x5], $0x400, s26, s25, $0x38;
	[tilespmem:$0x10400] =	vst v63  }
0x247: {  	s12 =	sadd.s32 $0x140, s19;
	s29 =	simm.s32 $0x1800  }
0x248: {  	[hbm4b:s12+s25] =	stream.strided.scatter [tilespmem:s29], [sflag:$0x5], $0x400, s26, s25, $0x38;
	[tilespmem:$0x10400] =	vst v63  }
0x249: {  	s30 =	sadd.s32 $0x180, s19  }
0x24a: {  	[hbm4b:s30+s25] =	stream.strided.scatter [tilespmem:s31], [sflag:$0x5], $0x400, s26, s25, $0x38;
	[tilespmem:$0x10400] =	vst v63  }
0x24b: {  	s12 =	sadd.s32 $0x1C0, s19  }
0x24c: {  	[hbm4b:s12+s25] =	stream.strided.scatter [tilespmem:s26], [sflag:$0x5], $0x400, s26, s25, $0x38;
	[tilespmem:$0x10400] =	vst v63  }
0x24d: {  	s29 =	sadd.s32 $0x200, s19  }
0x24e: {  	[hbm4b:s29+s25] =	stream.strided.scatter [tilespmem:s2], [sflag:$0x5], $0x400, s26, s25, $0x38;
	[tilespmem:$0x10400] =	vst v63  }
0x24f: {  	s30 =	sadd.s32 $0x240, s19;
	s31 =	simm.s32 $0x2800  }
0x250: {  	[hbm4b:s30+s25] =	stream.strided.scatter [tilespmem:s31], [sflag:$0x5], $0x400, s26, s25, $0x38;
	[tilespmem:$0x10400] =	vst v63  }
0x251: {  	s12 =	sadd.s32 $0x280, s19  }
0x252: {  	[hbm4b:s12+s25] =	stream.strided.scatter [tilespmem:s0], [sflag:$0x5], $0x400, s26, s25, $0x38;
	[tilespmem:$0x10400] =	vst v63  }
0x253: {  	s29 =	sadd.s32 $0x2C0, s19;
	s30 =	simm.s32 $0x3000  }
0x254: {  	[hbm4b:s29+s25] =	stream.strided.scatter [tilespmem:s30], [sflag:$0x5], $0x400, s26, s25, $0x38;
	[tilespmem:$0x10400] =	vst v63  }
0x255: {  	s31 =	sadd.s32 $0x300, s19  }
0x256: {  	[hbm4b:s31+s25] =	stream.strided.scatter [tilespmem:s4], [sflag:$0x5], $0x400, s26, s25, $0x38;
	[tilespmem:$0x10400] =	vst v63  }
0x257: {  	s2 =	simm.s32 $0x3800;
	s0 =	sadd.s32 $0x340, s19  }
0x258: {  	[hbm4b:s0+s25] =	stream.strided.scatter [tilespmem:s2], [sflag:$0x5], $0x400, s26, s25, $0x38;
	[tilespmem:$0x10400] =	vst v63  }
0x259: {  	s4 =	sadd.s32 $0x380, s19  }
0x25a: {  	[hbm4b:s4+s25] =	stream.strided.scatter [tilespmem:s20], [sflag:$0x5], $0x400, s26, s25, $0x38;
	[tilespmem:$0x10400] =	vst v63  }
0x25b: {  	s12 =	sadd.s32 $0x3C0, s19;
	s19 =	simm.s32 $0x4000  }
0x25c: {  	[hbm4b:s12+s25] =	stream.strided.scatter [tilespmem:s19], [sflag:$0x5], $0x400, s26, s25, $0x38;
	[tilespmem:$0x10400] =	vst v63  }
0x25d: {  	s12 =	simm.s32 $0x8  }
0x25e: {  	_ =	swait.ge [sflag:s12], $0x4000  }
0x25f: {  	[sflag:s12] =	ssyncset.done $0x0  }
0x260: {  	[sflag:s12] =	ssyncadd.s32 $0xFFFFC000  }
0x261: {  	v2 =	vld.msk [tilespmem:$0x3F8], $0xff;
	_ =	sdelay $0x4  }
0x262: {  	v3 =	vshll.u32 v2, $0x4  }
0x263: {  	v2 =	vand.u32 $0x7, v2;
	v3 =	vand.u32 $0xFFFFFF80, v3  }
0x264: {  	v2 =	vor.u32 v2, v3  }
0x265: {  	v2 =	vperm.xlane v2, v0;
	_ =	sdelay $0x1  }
0x266: {  	v2 =	vadd.s32 v1, v2;
	_ =	sdelay $0x3  }
0x267: {  	s0 =	simm.s32 $0xC400  }
0x268: {  	[tilespmem:s0], [sflag:$0x4] =	stream.indirect_vreg.gather [hbm4b:s1+s3], $0x80, v2, vm0, $0xb8;
	[tilespmem:$0x10400] =	vst v63  }
0x269: {  	s1 =	simm.s32 $0xCC00  }
0x26a: {  	[tilespmem:s1], [sflag:$0x4] =	stream.indirect_vreg.gather [hbm4b:s5+s3], $0x80, v2, vm0, $0xb8;
	[tilespmem:$0x10400] =	vst v63  }
0x26b: {  	s2 =	simm.s32 $0xD400  }
0x26c: {  	[tilespmem:s2], [sflag:$0x4] =	stream.indirect_vreg.gather [hbm4b:s6+s3], $0x80, v2, vm0, $0xb8;
	[tilespmem:$0x10400] =	vst v63  }
0x26d: {  	s4 =	simm.s32 $0xDC00  }
0x26e: {  	[tilespmem:s4], [sflag:$0x4] =	stream.indirect_vreg.gather [hbm4b:s7+s3], $0x80, v2, vm0, $0xb8;
	[tilespmem:$0x10400] =	vst v63  }
0x26f: {  	s5 =	simm.s32 $0xE400  }
0x270: {  	[tilespmem:s5], [sflag:$0x4] =	stream.indirect_vreg.gather [hbm4b:s8+s3], $0x80, v2, vm0, $0xb8;
	[tilespmem:$0x10400] =	vst v63  }
0x271: {  	s6 =	simm.s32 $0xEC00  }
0x272: {  	[tilespmem:s6], [sflag:$0x4] =	stream.indirect_vreg.gather [hbm4b:s9+s3], $0x80, v2, vm0, $0xb8;
	[tilespmem:$0x10400] =	vst v63  }
0x273: {  	s7 =	simm.s32 $0xF400  }
0x274: {  	[tilespmem:s7], [sflag:$0x4] =	stream.indirect_vreg.gather [hbm4b:s11+s3], $0x80, v2, vm0, $0xb8;
	[tilespmem:$0x10400] =	vst v63  }
0x275: {  	s20 =	simm.s32 $0x2;
	s8 =	simm.s32 $0xFC00  }
0x276: {  	[tilespmem:s8], [sflag:$0x4] =	stream.indirect_vreg.gather [hbm4b:s22+s3], $0x80, v2, vm0, $0xb8;
	[tilespmem:$0x10400] =	vst v63  }
0x277: {  	_ =	swait.ge [sflag:s20], $0x4000  }
0x278: {  	[sflag:s20] =	ssyncset.done $0x0  }
0x279: {  	s19 =	rddreg [dreg:$0xb];
	[sflag:s20] =	ssyncadd.s32 $0xFFFFC000  }
0x27a: {  	[hbm4b:s19+s25] =	stream.strided.scatter [tilespmem:s24], [sflag:$0x6], $0x400, s26, s25, $0x38;
	[tilespmem:$0x10400] =	vst v63  }
0x27b: {  	s22 =	sadd.s32 $0x40, s19;
	s24 =	simm.s32 $0x4800  }
0x27c: {  	[hbm4b:s22+s25] =	stream.strided.scatter [tilespmem:s24], [sflag:$0x6], $0x400, s26, s25, $0x38;
	[tilespmem:$0x10400] =	vst v63  }
0x27d: {  	s29 =	sadd.s32 $0x80, s19  }
0x27e: {  	[hbm4b:s29+s25] =	stream.strided.scatter [tilespmem:s21], [sflag:$0x6], $0x400, s26, s25, $0x38;
	[tilespmem:$0x10400] =	vst v63  }
0x27f: {  	s31 =	simm.s32 $0x5000;
	s30 =	sadd.s32 $0xC0, s19  }
0x280: {  	[hbm4b:s30+s25] =	stream.strided.scatter [tilespmem:s31], [sflag:$0x6], $0x400, s26, s25, $0x38;
	[tilespmem:$0x10400] =	vst v63  }
0x281: {  	s9 =	sadd.s32 $0x100, s19  }
0x282: {  	[hbm4b:s9+s25] =	stream.strided.scatter [tilespmem:s13], [sflag:$0x6], $0x400, s26, s25, $0x38;
	[tilespmem:$0x10400] =	vst v63  }
0x283: {  	s11 =	sadd.s32 $0x140, s19;
	s13 =	simm.s32 $0x5800  }
0x284: {  	[hbm4b:s11+s25] =	stream.strided.scatter [tilespmem:s13], [sflag:$0x6], $0x400, s26, s25, $0x38;
	[tilespmem:$0x10400] =	vst v63  }
0x285: {  	s20 =	sadd.s32 $0x180, s19  }
0x286: {  	[hbm4b:s20+s25] =	stream.strided.scatter [tilespmem:s14], [sflag:$0x6], $0x400, s26, s25, $0x38;
	[tilespmem:$0x10400] =	vst v63  }
0x287: {  	s22 =	simm.s32 $0x6000;
	s21 =	sadd.s32 $0x1C0, s19  }
0x288: {  	[hbm4b:s21+s25] =	stream.strided.scatter [tilespmem:s22], [sflag:$0x6], $0x400, s26, s25, $0x38;
	[tilespmem:$0x10400] =	vst v63  }
0x289: {  	s24 =	sadd.s32 $0x200, s19  }
0x28a: {  	[hbm4b:s24+s25] =	stream.strided.scatter [tilespmem:s15], [sflag:$0x6], $0x400, s26, s25, $0x38;
	[tilespmem:$0x10400] =	vst v63  }
0x28b: {  	s29 =	sadd.s32 $0x240, s19;
	s30 =	simm.s32 $0x6800  }
0x28c: {  	[hbm4b:s29+s25] =	stream.strided.scatter [tilespmem:s30], [sflag:$0x6], $0x400, s26, s25, $0x38;
	[tilespmem:$0x10400] =	vst v63  }
0x28d: {  	s31 =	sadd.s32 $0x280, s19  }
0x28e: {  	[hbm4b:s31+s25] =	stream.strided.scatter [tilespmem:s16], [sflag:$0x6], $0x400, s26, s25, $0x38;
	[tilespmem:$0x10400] =	vst v63  }
0x28f: {  	s9 =	sadd.s32 $0x2C0, s19;
	s11 =	simm.s32 $0x7000  }
0x290: {  	[hbm4b:s9+s25] =	stream.strided.scatter [tilespmem:s11], [sflag:$0x6], $0x400, s26, s25, $0x38;
	[tilespmem:$0x10400] =	vst v63  }
0x291: {  	s13 =	sadd.s32 $0x300, s19  }
0x292: {  	[hbm4b:s13+s25] =	stream.strided.scatter [tilespmem:s17], [sflag:$0x6], $0x400, s26, s25, $0x38;
	[tilespmem:$0x10400] =	vst v63  }
0x293: {  	s14 =	sadd.s32 $0x340, s19;
	s15 =	simm.s32 $0x7800  }
0x294: {  	[hbm4b:s14+s25] =	stream.strided.scatter [tilespmem:s15], [sflag:$0x6], $0x400, s26, s25, $0x38;
	[tilespmem:$0x10400] =	vst v63  }
0x295: {  	s16 =	sadd.s32 $0x380, s19  }
0x296: {  	[hbm4b:s16+s25] =	stream.strided.scatter [tilespmem:s10], [sflag:$0x6], $0x400, s26, s25, $0x38;
	[tilespmem:$0x10400] =	vst v63  }
0x297: {  	s20 =	simm.s32 $0x5;
	s17 =	sadd.s32 $0x3C0, s19;
	s19 =	simm.s32 $0x8000  }
0x298: {  	[hbm4b:s17+s25] =	stream.strided.scatter [tilespmem:s19], [sflag:$0x6], $0x400, s26, s25, $0x38;
	[tilespmem:$0x10400] =	vst v63  }
0x299: {  	_ =	swait.ge [sflag:s20], $0x4000  }
0x29a: {  	[sflag:s20] =	ssyncset.done $0x0  }
0x29b: {  	s21 =	simm.s32 $0x3;
	[sflag:s20] =	ssyncadd.s32 $0xFFFFC000  }
0x29c: {  	_ =	swait.ge [sflag:s21], $0x4000  }
0x29d: {  	[sflag:s21] =	ssyncset.done $0x0  }
0x29e: {  	s19 =	rddreg [dreg:$0xc];
	[sflag:s21] =	ssyncadd.s32 $0xFFFFC000  }
0x29f: {  	[hbm4b:s19+s25] =	stream.strided.scatter [tilespmem:s28], [sflag:$0x7], $0x400, s26, s25, $0x38;
	[tilespmem:$0x10400] =	vst v63  }
0x2a0: {  	s24 =	simm.s32 $0x8800;
	s22 =	sadd.s32 $0x40, s19  }
0x2a1: {  	[hbm4b:s22+s25] =	stream.strided.scatter [tilespmem:s24], [sflag:$0x7], $0x400, s26, s25, $0x38;
	[tilespmem:$0x10400] =	vst v63  }
0x2a2: {  	s29 =	simm.s32 $0x8C00;
	s28 =	sadd.s32 $0x80, s19  }
0x2a3: {  	[hbm4b:s28+s25] =	stream.strided.scatter [tilespmem:s29], [sflag:$0x7], $0x400, s26, s25, $0x38;
	[tilespmem:$0x10400] =	vst v63  }
0x2a4: {  	s31 =	simm.s32 $0x9000;
	s30 =	sadd.s32 $0xC0, s19  }
0x2a5: {  	[hbm4b:s30+s25] =	stream.strided.scatter [tilespmem:s31], [sflag:$0x7], $0x400, s26, s25, $0x38;
	[tilespmem:$0x10400] =	vst v63  }
0x2a6: {  	s10 =	simm.s32 $0x9400;
	s9 =	sadd.s32 $0x100, s19  }
0x2a7: {  	[hbm4b:s9+s25] =	stream.strided.scatter [tilespmem:s10], [sflag:$0x7], $0x400, s26, s25, $0x38;
	[tilespmem:$0x10400] =	vst v63  }
0x2a8: {  	s13 =	simm.s32 $0x9800;
	s11 =	sadd.s32 $0x140, s19  }
0x2a9: {  	[hbm4b:s11+s25] =	stream.strided.scatter [tilespmem:s13], [sflag:$0x7], $0x400, s26, s25, $0x38;
	[tilespmem:$0x10400] =	vst v63  }
0x2aa: {  	s15 =	simm.s32 $0x9C00;
	s14 =	sadd.s32 $0x180, s19  }
0x2ab: {  	[hbm4b:s14+s25] =	stream.strided.scatter [tilespmem:s15], [sflag:$0x7], $0x400, s26, s25, $0x38;
	[tilespmem:$0x10400] =	vst v63  }
0x2ac: {  	s17 =	simm.s32 $0xA000;
	s16 =	sadd.s32 $0x1C0, s19  }
0x2ad: {  	[hbm4b:s16+s25] =	stream.strided.scatter [tilespmem:s17], [sflag:$0x7], $0x400, s26, s25, $0x38;
	[tilespmem:$0x10400] =	vst v63  }
0x2ae: {  	s20 =	sadd.s32 $0x200, s19;
	s21 =	simm.s32 $0xA400  }
0x2af: {  	[hbm4b:s20+s25] =	stream.strided.scatter [tilespmem:s21], [sflag:$0x7], $0x400, s26, s25, $0x38;
	[tilespmem:$0x10400] =	vst v63  }
0x2b0: {  	s22 =	sadd.s32 $0x240, s19;
	s24 =	simm.s32 $0xA800  }
0x2b1: {  	[hbm4b:s22+s25] =	stream.strided.scatter [tilespmem:s24], [sflag:$0x7], $0x400, s26, s25, $0x38;
	[tilespmem:$0x10400] =	vst v63  }
0x2b2: {  	s28 =	sadd.s32 $0x280, s19;
	s29 =	simm.s32 $0xAC00  }
0x2b3: {  	[hbm4b:s28+s25] =	stream.strided.scatter [tilespmem:s29], [sflag:$0x7], $0x400, s26, s25, $0x38;
	[tilespmem:$0x10400] =	vst v63  }
0x2b4: {  	s30 =	sadd.s32 $0x2C0, s19;
	s31 =	simm.s32 $0xB000  }
0x2b5: {  	[hbm4b:s30+s25] =	stream.strided.scatter [tilespmem:s31], [sflag:$0x7], $0x400, s26, s25, $0x38;
	[tilespmem:$0x10400] =	vst v63  }
0x2b6: {  	s10 =	sadd.s32 $0x300, s19;
	s11 =	simm.s32 $0xB400  }
0x2b7: {  	[hbm4b:s10+s25] =	stream.strided.scatter [tilespmem:s11], [sflag:$0x7], $0x400, s26, s25, $0x38;
	[tilespmem:$0x10400] =	vst v63  }
0x2b8: {  	s13 =	sadd.s32 $0x340, s19;
	s14 =	simm.s32 $0xB800  }
0x2b9: {  	[hbm4b:s13+s25] =	stream.strided.scatter [tilespmem:s14], [sflag:$0x7], $0x400, s26, s25, $0x38;
	[tilespmem:$0x10400] =	vst v63  }
0x2ba: {  	s15 =	sadd.s32 $0x380, s19;
	s16 =	simm.s32 $0xBC00  }
0x2bb: {  	[hbm4b:s15+s25] =	stream.strided.scatter [tilespmem:s16], [sflag:$0x7], $0x400, s26, s25, $0x38;
	[tilespmem:$0x10400] =	vst v63  }
0x2bc: {  	s17 =	sadd.s32 $0x3C0, s19;
	s19 =	simm.s32 $0xC000;
	s20 =	simm.s32 $0x6  }
0x2bd: {  	[hbm4b:s17+s25] =	stream.strided.scatter [tilespmem:s19], [sflag:$0x7], $0x400, s26, s25, $0x38;
	[tilespmem:$0x10400] =	vst v63  }
0x2be: {  	_ =	swait.ge [sflag:s20], $0x4000  }
0x2bf: {  	[sflag:s20] =	ssyncset.done $0x0  }
0x2c0: {  	s21 =	simm.s32 $0x4;
	[sflag:s20] =	ssyncadd.s32 $0xFFFFC000  }
0x2c1: {  	_ =	swait.ge [sflag:s21], $0x4000  }
0x2c2: {  	[sflag:s21] =	ssyncset.done $0x0  }
0x2c3: {  	s19 =	rddreg [dreg:$0xd];
	[sflag:s21] =	ssyncadd.s32 $0xFFFFC000  }
0x2c4: {  	[hbm4b:s19+s25] =	stream.strided.scatter [tilespmem:s0], [sflag:$0x8], $0x400, s26, s25, $0x38;
	[tilespmem:$0x10400] =	vst v63  }
0x2c5: {  	s24 =	simm.s32 $0xC800;
	s22 =	sadd.s32 $0x40, s19  }
0x2c6: {  	[hbm4b:s22+s25] =	stream.strided.scatter [tilespmem:s24], [sflag:$0x8], $0x400, s26, s25, $0x38;
	[tilespmem:$0x10400] =	vst v63  }
0x2c7: {  	s28 =	sadd.s32 $0x80, s19  }
0x2c8: {  	[hbm4b:s28+s25] =	stream.strided.scatter [tilespmem:s1], [sflag:$0x8], $0x400, s26, s25, $0x38;
	[tilespmem:$0x10400] =	vst v63  }
0x2c9: {  	s30 =	simm.s32 $0xD000;
	s29 =	sadd.s32 $0xC0, s19  }
0x2ca: {  	[hbm4b:s29+s25] =	stream.strided.scatter [tilespmem:s30], [sflag:$0x8], $0x400, s26, s25, $0x38;
	[tilespmem:$0x10400] =	vst v63  }
0x2cb: {  	s31 =	sadd.s32 $0x100, s19  }
0x2cc: {  	[hbm4b:s31+s25] =	stream.strided.scatter [tilespmem:s2], [sflag:$0x8], $0x400, s26, s25, $0x38;
	[tilespmem:$0x10400] =	vst v63  }
0x2cd: {  	s0 =	sadd.s32 $0x140, s19;
	s1 =	simm.s32 $0xD800  }
0x2ce: {  	[hbm4b:s0+s25] =	stream.strided.scatter [tilespmem:s1], [sflag:$0x8], $0x400, s26, s25, $0x38;
	[tilespmem:$0x10400] =	vst v63  }
0x2cf: {  	s2 =	sadd.s32 $0x180, s19  }
0x2d0: {  	[hbm4b:s2+s25] =	stream.strided.scatter [tilespmem:s4], [sflag:$0x8], $0x400, s26, s25, $0x38;
	[tilespmem:$0x10400] =	vst v63  }
0x2d1: {  	s10 =	simm.s32 $0xE000;
	s9 =	sadd.s32 $0x1C0, s19  }
0x2d2: {  	[hbm4b:s9+s25] =	stream.strided.scatter [tilespmem:s10], [sflag:$0x8], $0x400, s26, s25, $0x38;
	[tilespmem:$0x10400] =	vst v63  }
0x2d3: {  	s11 =	sadd.s32 $0x200, s19  }
0x2d4: {  	[hbm4b:s11+s25] =	stream.strided.scatter [tilespmem:s5], [sflag:$0x8], $0x400, s26, s25, $0x38;
	[tilespmem:$0x10400] =	vst v63  }
0x2d5: {  	s14 =	simm.s32 $0xE800;
	s13 =	sadd.s32 $0x240, s19  }
0x2d6: {  	[hbm4b:s13+s25] =	stream.strided.scatter [tilespmem:s14], [sflag:$0x8], $0x400, s26, s25, $0x38;
	[tilespmem:$0x10400] =	vst v63  }
0x2d7: {  	s15 =	sadd.s32 $0x280, s19  }
0x2d8: {  	[hbm4b:s15+s25] =	stream.strided.scatter [tilespmem:s6], [sflag:$0x8], $0x400, s26, s25, $0x38;
	[tilespmem:$0x10400] =	vst v63  }
0x2d9: {  	s17 =	simm.s32 $0xF000;
	s16 =	sadd.s32 $0x2C0, s19  }
0x2da: {  	[hbm4b:s16+s25] =	stream.strided.scatter [tilespmem:s17], [sflag:$0x8], $0x400, s26, s25, $0x38;
	[tilespmem:$0x10400] =	vst v63  }
0x2db: {  	s20 =	sadd.s32 $0x300, s19  }
0x2dc: {  	[hbm4b:s20+s25] =	stream.strided.scatter [tilespmem:s7], [sflag:$0x8], $0x400, s26, s25, $0x38;
	[tilespmem:$0x10400] =	vst v63  }
0x2dd: {  	s21 =	sadd.s32 $0x340, s19;
	s22 =	simm.s32 $0xF800  }
0x2de: {  	[hbm4b:s21+s25] =	stream.strided.scatter [tilespmem:s22], [sflag:$0x8], $0x400, s26, s25, $0x38;
	[tilespmem:$0x10400] =	vst v63  }
0x2df: {  	s24 =	sadd.s32 $0x380, s19  }
0x2e0: {  	[hbm4b:s24+s25] =	stream.strided.scatter [tilespmem:s8], [sflag:$0x8], $0x400, s26, s25, $0x38;
	[tilespmem:$0x10400] =	vst v63  }
0x2e1: {  	s28 =	sadd.s32 $0x3C0, s19;
	s29 =	simm.s32 $0x10000  }
0x2e2: {  	[hbm4b:s28+s25] =	stream.strided.scatter [tilespmem:s29], [sflag:$0x8], $0x400, s26, s25, $0x38;
	[tilespmem:$0x10400] =	vst v63  }
0x2e3: {  	_ =	swait.ge [sflag:s23], $0x4000  }
0x2e4: {  	[sflag:s23] =	ssyncset.done $0x0  }
0x2e5: {  	[sflag:s23] =	ssyncadd.s32 $0xFFFFC000  }
0x2e6: {  	_ =	swait.ge [sflag:s12], $0x4000  }
0x2e7: {  	s30 =	rddreg [dreg:$0x16]  }
0x2e8: {  	s31 =	rddreg [dreg:$0xe];
	s0 =	sadd.s32 $0x1, s30  }
0x2e9: {  	p0 =	sne.s32 s0, s31  }
.Ltmp1:
0x2ea: {  	_ = 	snop;
	(pc) =	sbr.rel @p0 .LBB2_1-.Ltmp1, $3  }
0x2eb: {  	_ =	sdelay $0x1  }
0x2ec: {  	[sflag:s12] =	ssyncset.done $0x0  }
0x2ed: {  	[sflag:s12] =	ssyncadd.s32 $0xFFFFC000  }
0x2ee: {  	_ =	sfence.sel $0x180000  }
0x2ef: {  	[bflag:$0x0] =	sbarrier.arrive $0xFFFF  }
0x2f0: {  	_ =	strace $0x90000047  }
0x2f1: {  	s0 =	stileid.u32;
	[bflag:$0x2] =	sbarrier.arrive $0xFFFF  }
0x2f2: {  	p0 =	sne.s32 s0, $0x0;
	s0 =	rddreg [dreg:$0x3]  }
0x2f3: {  	s0 =	sadd.s32 @!p0 $0x100000, s0  }
0x2f4: {  	[sflag:s0] =	ssyncadd.tile.s32 @!p0 $0x1;
	_ =	shalt  }
.Lfunc_end2:
_tile_overlayer_lowered:
.L_overlay_start_2:
0x2f5: {  	(tag) =	ssettag $0x2  }
0x2f6: {  	s0 =	rddreg [dreg:$0x0];
	s2 =	stileid.u32  }
0x2f7: {  	s1 =	rddreg [dreg:$0x1];
	p0 =	sne.s32 s2, $0x0  }
0x2f8: {  	s3 =	rddreg [dreg:$0x2];
	[bflag:$0x3] =	sbarrier.arrive $0xFFFF;
	s2 =	simm.s32 @!p0 $0x1C09  }
0x2f9: {  	[timem:s3], [sflag:s2] =	dma.local @!p0 [hbm:s0], s1  }
0x2fa: {  	s0 =	simm.s32 @!p0 $0x9  }
0x2fb: {  	_ =	swait.ge @!p0 [sflag:s0], s1  }
0x2fc: {  	s1 =	ssub.s32 @!p0 $0x0, s1;
	[sflag:s0] =	ssyncset.done @!p0 $0x0  }
0x2fd: {  	[sflag:s0] =	ssyncadd.s32 @!p0 s1  }
0x2fe: {  	[bflag:$0x3] =	sbarrier.arrive $0xFFFF  }
0x2ff: {  	_ =	shalt  }

</sc_bundles>
